<compile_context>
chip_gen: v7x
topology: tpu7x:2x2x1
jax: 0.10.2.dev20260603
libtpu: 0.0.44.dev20260713+nightly
codegen_flags: <defaults>
</compile_context>

<pallas_src>
import functools

import jax
import jax.numpy as jnp
from jax import lax
from jax.experimental import pallas as pl
from jax.experimental.pallas import tpu as pltpu
from jax.experimental.pallas import tpu_sc as plsc

RADIUS = 0.2
N = 1024
CT = 1024
OUT_CH = 128
HIGH = jax.lax.Precision.HIGHEST


def _tc_kernel(xyzT_ref, xyzS_ref, W1_ref, W2_ref, W3_ref,
               b1_ref, b2_ref, b3_ref, idx_ref, A_ref, C_ref):
    bt = pl.program_id(0)
    ct = pl.program_id(1)
    judge = jnp.float32(RADIUS * RADIUS)

    W21 = jnp.dot(W2_ref[...], W1_ref[...], preferred_element_type=jnp.float32, precision=HIGH)
    W321 = jnp.dot(W3_ref[...], W21, preferred_element_type=jnp.float32, precision=HIGH)
    be = jax.lax.dot_general(b1_ref[...], W2_ref[...], (((1,), (1,)), ((), ())), precision=HIGH) + b2_ref[...]
    beff = jax.lax.dot_general(be, W3_ref[...], (((1,), (1,)), ((), ())), precision=HIGH) + b3_ref[...]

    xyz_all = xyzS_ref[0]
    P = jax.lax.dot_general(xyz_all, W321, (((1,), (1,)), ((), ())),
                            preferred_element_type=jnp.float32, precision=HIGH)
    A_ref[0] = P

    xs = xyzT_ref[0, 0:1, :]
    ys = xyzT_ref[0, 1:2, :]
    zs = xyzT_ref[0, 2:3, :]
    c3 = xyzS_ref[0, pl.ds(ct * CT, CT), :]
    xc = c3[:, 0:1]
    yc = c3[:, 1:2]
    zc = c3[:, 2:3]

    dx = xs - xc
    dy = ys - yc
    dz = zs - zc
    dist = dx * dx + dy * dy + dz * dz

    i0 = jnp.int32(0)
    neg_eps = jnp.float32(-(2.0 ** -25))
    s = (jnp.where(dx >= neg_eps, jnp.int32(4), i0)
         + jnp.where(dy >= neg_eps, jnp.int32(2), i0)
         + jnp.where(dz >= neg_eps, jnp.int32(1), i0))
    valid = (dist > jnp.float32(1e-10)) & (dist < judge)

    lane = jax.lax.broadcasted_iota(jnp.int32, (CT, N), 1)
    row = jax.lax.broadcasted_iota(jnp.int32, (CT, N), 0)
    eye = lane == (row + ct * CT)
    base = jnp.where(eye, judge, jnp.float32(1e10))
    dv = jnp.where(valid, dist, base)

    Pc = jax.lax.dot_general(c3, W321, (((1,), (1,)), ((), ())),
                             preferred_element_type=jnp.float32, precision=HIGH)
    C_ref[0] = beff - Pc

    gbase = bt * jnp.int32(N)
    for i in range(8):
        d_i = jnp.where(s == i, dv, base)
        mn = jnp.min(d_i, axis=1, keepdims=True)
        idx = jnp.min(jnp.where(d_i == mn, lane, N), axis=1, keepdims=True)
        idx_ref[0, :, i:i + 1] = idx + gbase


def _tc_stage(xyzT, xyzS, W1, W2, W3, b1r, b2r, b3r):
    BT = xyzS.shape[0]
    return pl.pallas_call(
        _tc_kernel,
        grid=(BT, N // CT),
        in_specs=[
            pl.BlockSpec((1, 3, N), lambda b, ct: (b, 0, 0)),
            pl.BlockSpec((1, N, 3), lambda b, ct: (b, 0, 0)),
            pl.BlockSpec((OUT_CH, 3), lambda b, ct: (0, 0)),
            pl.BlockSpec((OUT_CH, OUT_CH), lambda b, ct: (0, 0)),
            pl.BlockSpec((OUT_CH, OUT_CH), lambda b, ct: (0, 0)),
            pl.BlockSpec((1, OUT_CH), lambda b, ct: (0, 0)),
            pl.BlockSpec((1, OUT_CH), lambda b, ct: (0, 0)),
            pl.BlockSpec((1, OUT_CH), lambda b, ct: (0, 0)),
        ],
        out_specs=[
            pl.BlockSpec((1, CT, 8), lambda b, ct: (b, ct, 0)),
            pl.BlockSpec((1, N, OUT_CH), lambda b, ct: (b, 0, 0)),
            pl.BlockSpec((1, CT, OUT_CH), lambda b, ct: (b, ct, 0)),
        ],
        out_shape=[
            jax.ShapeDtypeStruct((BT, N, 8), jnp.int32),
            jax.ShapeDtypeStruct((BT, N, OUT_CH), jnp.float32),
            jax.ShapeDtypeStruct((BT, N, OUT_CH), jnp.float32),
        ],
        compiler_params=pltpu.CompilerParams(
            dimension_semantics=("parallel", "parallel")),
    )(xyzT, xyzS, W1, W2, W3, b1r, b2r, b3r)


NPTS = 8192
PCHUNK = 16
NW = 32


def _sc_stage(A, C, idx_flat):
    mesh = plsc.VectorSubcoreMesh(core_axis_name="c", subcore_axis_name="s")
    pts_per_w = NPTS // NW
    nchunks = pts_per_w // PCHUNK

    @functools.partial(
        pl.kernel, mesh=mesh,
        out_type=jax.ShapeDtypeStruct((NPTS, 14 * OUT_CH), jnp.float32),
        scratch_types=[
            pltpu.VMEM((PCHUNK * 8,), jnp.int32),
            pltpu.VMEM((PCHUNK * 8, OUT_CH), jnp.float32),
            pltpu.VMEM((PCHUNK, OUT_CH), jnp.float32),
            pltpu.VMEM((PCHUNK, 14 * OUT_CH), jnp.float32),
            pltpu.SemaphoreType.DMA,
        ],
    )
    def k(A_hbm, C_hbm, idx_hbm, out_hbm, idx_v, rows_v, c_v, out_v, sem):
        wid = lax.axis_index("s") * 2 + lax.axis_index("c")
        base = wid * pts_per_w

        def chunk_body(ci, _):
            p0 = base + ci * PCHUNK
            pltpu.sync_copy(idx_hbm.at[pl.ds(p0 * 8, PCHUNK * 8)], idx_v)
            pltpu.sync_copy(C_hbm.at[pl.ds(p0, PCHUNK)], c_v)
            pltpu.async_copy(A_hbm.at[idx_v], rows_v, sem).wait()

            def pt_body(p, _):
                for v in range(OUT_CH // 16):
                    sl = pl.ds(v * 16, 16)
                    cv = c_v[p, sl]
                    gk = [rows_v[p * 8 + kk, sl] + cv for kk in range(8)]
                    m01 = jnp.maximum(gk[0], gk[1])
                    m23 = jnp.maximum(gk[2], gk[3])
                    m45 = jnp.maximum(gk[4], gk[5])
                    m67 = jnp.maximum(gk[6], gk[7])
                    cols = [jnp.maximum(m01, m23), jnp.maximum(m45, m67),
                            m01, m23, m45, m67] + gk
                    for sslot, val in enumerate(cols):
                        out_v[p, pl.ds(sslot * OUT_CH + v * 16, 16)] = val
                return ()

            lax.fori_loop(0, PCHUNK, pt_body, ())
            pltpu.sync_copy(out_v, out_hbm.at[pl.ds(p0, PCHUNK)])
            return ()

        lax.fori_loop(0, nchunks, chunk_body, ())

    return k(A, C, idx_flat)


@jax.jit
def kernel(x, W1, b1, W2, b2, W3, b3):
    B, t, n, c = x.shape
    BT = B * t
    xyzS = x.reshape(BT, n, c)
    xyzT = jnp.transpose(xyzS, (0, 2, 1))
    b1r = b1.reshape(1, OUT_CH)
    b2r = b2.reshape(1, OUT_CH)
    b3r = b3.reshape(1, OUT_CH)

    idx, A, C = _tc_stage(xyzT, xyzS, W1, W2, W3, b1r, b2r, b3r)
    out = _sc_stage(A.reshape(BT * n, OUT_CH), C.reshape(BT * n, OUT_CH),
                    idx.reshape(BT * n * 8))
    return out.reshape(B, t, n, 14 * OUT_CH)

# --- scband reference (transcript-rebuilt; emitter-appended) ---
"""Pipeline reference for scband-point-sift-module-26972394619820 (READ-ONLY COPY).

The authoritative reference and input builder live on the scoring server;
editing this copy changes nothing except your own understanding.
"""

import jax, jax.numpy as jnp
import numpy as np

RADIUS = 0.2
OUT_CH = 128

def setup_inputs(seed: int = 0) -> dict:
    key = jax.random.key(seed)
    ks = jax.random.split(key, 7)
    x = jax.random.uniform(ks[0], (2, 4, 1024, 3), dtype=jnp.float32)
    W1 = jax.random.normal(ks[1], (OUT_CH, 3), dtype=jnp.float32) * 0.05
    b1 = jnp.zeros((OUT_CH,), jnp.float32)
    W2 = jax.random.normal(ks[2], (OUT_CH, OUT_CH), dtype=jnp.float32) * 0.05
    b2 = jnp.zeros((OUT_CH,), jnp.float32)
    W3 = jax.random.normal(ks[3], (OUT_CH, OUT_CH), dtype=jnp.float32) * 0.05
    b3 = jnp.zeros((OUT_CH,), jnp.float32)
    return {"x": x, "W1": W1, "b1": b1, "W2": W2, "b2": b2, "W3": W3, "b3": b3}

def _pointsift_select(radius, xyz):
    # xyz: [B, N, 3]; returns idx [B, N, 8]
    B, N, _ = xyz.shape
    judge = radius ** 2
    # diff[b, center, other, :] = xyz[b, other] - xyz[b, center]  (== xyz - centroid in torch code)
    diff = xyz[:, None, :, :] - xyz[:, :, None, :]
    dist = jnp.sum(diff ** 2, axis=-1)  # [B, Nc, No]
    # torch .int() truncates toward zero; values are in (0,2) for unit-cube coords
    sub = jnp.sum((diff + 1.0).astype(jnp.int32) * jnp.array([4, 2, 1], dtype=jnp.int32), axis=-1)
    eye = jnp.eye(N, dtype=bool)
    base = jnp.where(eye, jnp.float32(judge), jnp.float32(1e10))  # self gets judge_dist, rest 1e10
    idx_list = []
    for i in range(8):
        mask = (sub == i) & (dist > 1e-10) & (dist < judge)
        d_i = jnp.where(mask, dist, base[None, :, :])
        idx_list.append(jnp.argmin(d_i, axis=-1))  # first min index, matches torch.min
    return jnp.stack(idx_list, axis=-1)

def _forward(x, W1, b1, W2, b2, W3, b3):
    B, t, n, c = x.shape
    xyz = x.reshape(B * t, n, c)
    idx = _pointsift_select(RADIUS, xyz)  # [BT, n, 8]
    bidx = jnp.arange(B * t)[:, None, None]
    grouped_xyz = xyz[bidx, idx, :]  # gather: [BT, n, 8, 3]
    grouped_xyz = grouped_xyz - xyz[:, :, None, :]
    # points is None -> grouped_points = grouped_xyz; three 1x1 Conv2d (no activation)
    g = jnp.einsum('bnkc,oc->bnko', grouped_xyz, W1) + b1
    g = jnp.einsum('bnkc,oc->bnko', g, W2) + b2
    g = jnp.einsum('bnkc,oc->bnko', g, W3) + b3
    # SPP over the 8-neighbor dim with (kernel,stride) pairs (4,4),(2,2),(1,1)
    BT, N, K, C = g.shape
    pools = []
    for k in (4, 2, 1):
        pools.append(g.reshape(BT, N, K // k, k, C).max(axis=3))
    g = jnp.concatenate(pools, axis=2)  # [BT, N, 14, C]
    return g.reshape(B, t, n, -1)

def reference(x, W1, b1, W2, b2, W3, b3):
    return _forward(x, W1, b1, W2, b2, W3, b3)

if __name__ == "__main__":
    import jax
    _d = setup_inputs()
    print(jax.jit(kernel)(*tuple(_d.values())))

</pallas_src>

<mosaic_0001>
#map = affine_map<(d0, d1) -> (0, 0)>
#map1 = affine_map<(d0, d1) -> (0)>
module attributes {stable_mosaic.version = 14 : i64} {
  func.func @k(%arg0: i32, %arg1: i32, %arg2: memref<8192x128xf32, #tpu.memory_space<hbm>>, %arg3: memref<8192x128xf32, #tpu.memory_space<hbm>>, %arg4: memref<65536xi32, #tpu.memory_space<hbm>>, %arg5: memref<8192x1792xf32, #tpu.memory_space<hbm>>, %arg6: memref<128xi32, #tpu.memory_space<vmem>>, %arg7: memref<128x128xf32, #tpu.memory_space<vmem>>, %arg8: memref<16x128xf32, #tpu.memory_space<vmem>>, %arg9: memref<16x1792xf32, #tpu.memory_space<vmem>>, %arg10: memref<!tpu.dma_semaphore, #tpu.memory_space<semaphore_mem>>) attributes {dimension_semantics = [#tpu.dimension_semantics<core_parallel>, #tpu.dimension_semantics<subcore_parallel>], iteration_bounds = array<i64: 2, 16>, scalar_prefetch = 0 : i64, scratch_operands = 5 : i64, tpu.core_type = #tpu.core_type<sc_vector_subcore>, window_params = [{transform_indices = #map}, {transform_indices = #map}, {transform_indices = #map1}, {transform_indices = #map}]} {
    %mul3A = arith.constant 2 : i32
    %mul3A_0 = arith.muli %arg1, %mul3A : i32
    %add3A = arith.addi %mul3A_0, %arg0 : i32
    %mul3A_1 = arith.constant 256 : i32
    %mul3A_2 = arith.muli %add3A, %mul3A_1 : i32
    %scan3A = arith.constant 0 : i32
    %scan3A_3 = arith.constant 16 : i32
    %scan3A_4 = arith.addi %scan3A, %scan3A_3 : i32
    %scan3A_5 = arith.constant 1 : i32
    scf.for %scan3A_7 = %scan3A to %scan3A_4 step %scan3A_5  : i32 {
      %mul3A_8 = arith.constant 16 : i32
      %mul3A_9 = arith.muli %scan3A_7, %mul3A_8 : i32
      %add3A_10 = arith.addi %mul3A_2, %mul3A_9 : i32
      %mul3A_11 = arith.constant 8 : i32
      %mul3A_12 = arith.muli %add3A_10, %mul3A_11 : i32
      "tpu.region"() ({
        %run_scoped3A = tpu.sem_alloc : memref<!tpu.dma_semaphore, #tpu.memory_space<semaphore_mem>>
        %dma_start3A_22 = tpu.memref_slice %arg4[%mul3A_12] : memref<65536xi32, #tpu.memory_space<hbm>> -> memref<128xi32, #tpu.memory_space<hbm>>
        %dma_start3A_23 = tpu.memref_slice %arg4[%mul3A_12] : memref<65536xi32, #tpu.memory_space<hbm>> -> memref<128xi32, #tpu.memory_space<hbm>>
        tpu.enqueue_dma source(%dma_start3A_23 : memref<128xi32, #tpu.memory_space<hbm>>) target(%arg6 : memref<128xi32, #tpu.memory_space<vmem>>) target_semaphore(%run_scoped3A : memref<!tpu.dma_semaphore, #tpu.memory_space<semaphore_mem>>)
        %dma_wait3A_24 = tpu.memref_slice %arg4[%mul3A_12] : memref<65536xi32, #tpu.memory_space<hbm>> -> memref<128xi32, #tpu.memory_space<hbm>>
        %dma_wait3A_25 = tpu.memref_slice %arg4[%mul3A_12] : memref<65536xi32, #tpu.memory_space<hbm>> -> memref<128xi32, #tpu.memory_space<hbm>>
        tpu.wait_dma2 semaphore(%run_scoped3A : memref<!tpu.dma_semaphore, #tpu.memory_space<semaphore_mem>>) src(%dma_wait3A_25 : memref<128xi32, #tpu.memory_space<hbm>>) dst(%arg6 : memref<128xi32, #tpu.memory_space<vmem>>)
        tpu.yield
      }) : () -> ()
      "tpu.region"() ({
        %run_scoped3A = tpu.sem_alloc : memref<!tpu.dma_semaphore, #tpu.memory_space<semaphore_mem>>
        %dma_start3A_22 = arith.constant 0 : i32
        %dma_start3A_23 = tpu.memref_slice %arg3[%add3A_10, %dma_start3A_22] : memref<8192x128xf32, #tpu.memory_space<hbm>> -> memref<16x128xf32, #tpu.memory_space<hbm>>
        %dma_start3A_24 = arith.constant 0 : i32
        %dma_start3A_25 = tpu.memref_slice %arg3[%add3A_10, %dma_start3A_24] : memref<8192x128xf32, #tpu.memory_space<hbm>> -> memref<16x128xf32, #tpu.memory_space<hbm>>
        tpu.enqueue_dma source(%dma_start3A_25 : memref<16x128xf32, #tpu.memory_space<hbm>>) target(%arg8 : memref<16x128xf32, #tpu.memory_space<vmem>>) target_semaphore(%run_scoped3A : memref<!tpu.dma_semaphore, #tpu.memory_space<semaphore_mem>>)
        %dma_wait3A_26 = arith.constant 0 : i32
        %dma_wait3A_27 = tpu.memref_slice %arg3[%add3A_10, %dma_wait3A_26] : memref<8192x128xf32, #tpu.memory_space<hbm>> -> memref<16x128xf32, #tpu.memory_space<hbm>>
        %dma_wait3A_28 = arith.constant 0 : i32
        %dma_wait3A_29 = tpu.memref_slice %arg3[%add3A_10, %dma_wait3A_28] : memref<8192x128xf32, #tpu.memory_space<hbm>> -> memref<16x128xf32, #tpu.memory_space<hbm>>
        tpu.wait_dma2 semaphore(%run_scoped3A : memref<!tpu.dma_semaphore, #tpu.memory_space<semaphore_mem>>) src(%dma_wait3A_29 : memref<16x128xf32, #tpu.memory_space<hbm>>) dst(%arg8 : memref<16x128xf32, #tpu.memory_space<vmem>>)
        tpu.yield
      }) : () -> ()
      %dma_start3A = arith.constant 0 : i32
      %dma_start3A_13 = arith.constant 0 : i32
      %dma_start3A_14 = tpu.memref_slice %arg2[%dma_start3A, %dma_start3A_13] : memref<8192x128xf32, #tpu.memory_space<hbm>> -> memref<8192x128xf32, #tpu.memory_space<hbm>>
      tpu.enqueue_indirect_dma source(%dma_start3A_14 : memref<8192x128xf32, #tpu.memory_space<hbm>>) target(%arg7 : memref<128x128xf32, #tpu.memory_space<vmem>>) offsets(%arg6 : memref<128xi32, #tpu.memory_space<vmem>>) semaphore(%arg10 : memref<!tpu.dma_semaphore, #tpu.memory_space<semaphore_mem>>)
      %dma_wait3A = arith.constant 0 : i32
      %dma_wait3A_15 = arith.constant 0 : i32
      %dma_wait3A_16 = tpu.memref_slice %arg2[%dma_wait3A, %dma_wait3A_15] : memref<8192x128xf32, #tpu.memory_space<hbm>> -> memref<8192x128xf32, #tpu.memory_space<hbm>>
      tpu.wait_indirect_dma semaphore(%arg10 : memref<!tpu.dma_semaphore, #tpu.memory_space<semaphore_mem>>) src(%dma_wait3A_16 : memref<8192x128xf32, #tpu.memory_space<hbm>>) dst(%arg7 : memref<128x128xf32, #tpu.memory_space<vmem>>)
      %scan3A_17 = arith.constant 0 : i32
      %scan3A_18 = arith.constant 16 : i32
      %scan3A_19 = arith.addi %scan3A_17, %scan3A_18 : i32
      %scan3A_20 = arith.constant 1 : i32
      scf.for %scan3A_22 = %scan3A_17 to %scan3A_19 step %scan3A_20  : i32 {
        %get3A = arith.index_cast %scan3A_22 : i32 to index
        %get3A_23 = arith.constant 0 : index
        %get3A_24 = tpu.vector_load %arg8[%get3A, %get3A_23] {strides = array<i32>} : memref<16x128xf32, #tpu.memory_space<vmem>>, vector<1x16xf32>,
        %get3A_25 = vector.shape_cast %get3A_24 : vector<1x16xf32> to vector<16xf32>
        %mul3A_26 = arith.constant 8 : i32
        %mul3A_27 = arith.muli %scan3A_22, %mul3A_26 : i32
        %add3A_28 = arith.constant 0 : i32
        %add3A_29 = arith.addi %mul3A_27, %add3A_28 : i32
        %get3A_30 = arith.index_cast %add3A_29 : i32 to index
        %get3A_31 = arith.constant 0 : index
        %get3A_32 = tpu.vector_load %arg7[%get3A_30, %get3A_31] {strides = array<i32>} : memref<128x128xf32, #tpu.memory_space<vmem>>, vector<1x16xf32>,
        %get3A_33 = vector.shape_cast %get3A_32 : vector<1x16xf32> to vector<16xf32>
        %add3A_34 = arith.addf %get3A_33, %get3A_25 : vector<16xf32>
        %mul3A_35 = arith.constant 8 : i32
        %mul3A_36 = arith.muli %scan3A_22, %mul3A_35 : i32
        %add3A_37 = arith.constant 1 : i32
        %add3A_38 = arith.addi %mul3A_36, %add3A_37 : i32
        %get3A_39 = arith.index_cast %add3A_38 : i32 to index
        %get3A_40 = arith.constant 0 : index
        %get3A_41 = tpu.vector_load %arg7[%get3A_39, %get3A_40] {strides = array<i32>} : memref<128x128xf32, #tpu.memory_space<vmem>>, vector<1x16xf32>,
        %get3A_42 = vector.shape_cast %get3A_41 : vector<1x16xf32> to vector<16xf32>
        %add3A_43 = arith.addf %get3A_42, %get3A_25 : vector<16xf32>
        %mul3A_44 = arith.constant 8 : i32
        %mul3A_45 = arith.muli %scan3A_22, %mul3A_44 : i32
        %add3A_46 = arith.constant 2 : i32
        %add3A_47 = arith.addi %mul3A_45, %add3A_46 : i32
        %get3A_48 = arith.index_cast %add3A_47 : i32 to index
        %get3A_49 = arith.constant 0 : index
        %get3A_50 = tpu.vector_load %arg7[%get3A_48, %get3A_49] {strides = array<i32>} : memref<128x128xf32, #tpu.memory_space<vmem>>, vector<1x16xf32>,
        %get3A_51 = vector.shape_cast %get3A_50 : vector<1x16xf32> to vector<16xf32>
        %add3A_52 = arith.addf %get3A_51, %get3A_25 : vector<16xf32>
        %mul3A_53 = arith.constant 8 : i32
        %mul3A_54 = arith.muli %scan3A_22, %mul3A_53 : i32
        %add3A_55 = arith.constant 3 : i32
        %add3A_56 = arith.addi %mul3A_54, %add3A_55 : i32
        %get3A_57 = arith.index_cast %add3A_56 : i32 to index
        %get3A_58 = arith.constant 0 : index
        %get3A_59 = tpu.vector_load %arg7[%get3A_57, %get3A_58] {strides = array<i32>} : memref<128x128xf32, #tpu.memory_space<vmem>>, vector<1x16xf32>,
        %get3A_60 = vector.shape_cast %get3A_59 : vector<1x16xf32> to vector<16xf32>
        %add3A_61 = arith.addf %get3A_60, %get3A_25 : vector<16xf32>
        %mul3A_62 = arith.constant 8 : i32
        %mul3A_63 = arith.muli %scan3A_22, %mul3A_62 : i32
        %add3A_64 = arith.constant 4 : i32
        %add3A_65 = arith.addi %mul3A_63, %add3A_64 : i32
        %get3A_66 = arith.index_cast %add3A_65 : i32 to index
        %get3A_67 = arith.constant 0 : index
        %get3A_68 = tpu.vector_load %arg7[%get3A_66, %get3A_67] {strides = array<i32>} : memref<128x128xf32, #tpu.memory_space<vmem>>, vector<1x16xf32>,
        %get3A_69 = vector.shape_cast %get3A_68 : vector<1x16xf32> to vector<16xf32>
        %add3A_70 = arith.addf %get3A_69, %get3A_25 : vector<16xf32>
        %mul3A_71 = arith.constant 8 : i32
        %mul3A_72 = arith.muli %scan3A_22, %mul3A_71 : i32
        %add3A_73 = arith.constant 5 : i32
        %add3A_74 = arith.addi %mul3A_72, %add3A_73 : i32
        %get3A_75 = arith.index_cast %add3A_74 : i32 to index
        %get3A_76 = arith.constant 0 : index
        %get3A_77 = tpu.vector_load %arg7[%get3A_75, %get3A_76] {strides = array<i32>} : memref<128x128xf32, #tpu.memory_space<vmem>>, vector<1x16xf32>,
        %get3A_78 = vector.shape_cast %get3A_77 : vector<1x16xf32> to vector<16xf32>
        %add3A_79 = arith.addf %get3A_78, %get3A_25 : vector<16xf32>
        %mul3A_80 = arith.constant 8 : i32
        %mul3A_81 = arith.muli %scan3A_22, %mul3A_80 : i32
        %add3A_82 = arith.constant 6 : i32
        %add3A_83 = arith.addi %mul3A_81, %add3A_82 : i32
        %get3A_84 = arith.index_cast %add3A_83 : i32 to index
        %get3A_85 = arith.constant 0 : index
        %get3A_86 = tpu.vector_load %arg7[%get3A_84, %get3A_85] {strides = array<i32>} : memref<128x128xf32, #tpu.memory_space<vmem>>, vector<1x16xf32>,
        %get3A_87 = vector.shape_cast %get3A_86 : vector<1x16xf32> to vector<16xf32>
        %add3A_88 = arith.addf %get3A_87, %get3A_25 : vector<16xf32>
        %mul3A_89 = arith.constant 8 : i32
        %mul3A_90 = arith.muli %scan3A_22, %mul3A_89 : i32
        %add3A_91 = arith.constant 7 : i32
        %add3A_92 = arith.addi %mul3A_90, %add3A_91 : i32
        %get3A_93 = arith.index_cast %add3A_92 : i32 to index
        %get3A_94 = arith.constant 0 : index
        %get3A_95 = tpu.vector_load %arg7[%get3A_93, %get3A_94] {strides = array<i32>} : memref<128x128xf32, #tpu.memory_space<vmem>>, vector<1x16xf32>,
        %get3A_96 = vector.shape_cast %get3A_95 : vector<1x16xf32> to vector<16xf32>
        %add3A_97 = arith.addf %get3A_96, %get3A_25 : vector<16xf32>
        %max3A = arith.maximumf %add3A_34, %add3A_43 : vector<16xf32>
        %max3A_98 = arith.maximumf %add3A_52, %add3A_61 : vector<16xf32>
        %max3A_99 = arith.maximumf %add3A_70, %add3A_79 : vector<16xf32>
        %max3A_100 = arith.maximumf %add3A_88, %add3A_97 : vector<16xf32>
        %max3A_101 = arith.maximumf %max3A, %max3A_98 : vector<16xf32>
        %max3A_102 = arith.maximumf %max3A_99, %max3A_100 : vector<16xf32>
        %swap3A = arith.index_cast %scan3A_22 : i32 to index
        %swap3A_103 = arith.constant 0 : index
        %swap3A_104 = tpu.vector_load %arg9[%swap3A, %swap3A_103] {strides = array<i32>} : memref<16x1792xf32, #tpu.memory_space<vmem>>, vector<1x16xf32>,
        %swap3A_105 = vector.shape_cast %swap3A_104 : vector<1x16xf32> to vector<16xf32>
        %swap3A_106 = vector.shape_cast %max3A_101 : vector<16xf32> to vector<1x16xf32>
        tpu.vector_store %arg9[%swap3A, %swap3A_103], %swap3A_106 {strides = array<i32>} : memref<16x1792xf32, #tpu.memory_space<vmem>>, vector<1x16xf32>,
        %swap3A_107 = arith.index_cast %scan3A_22 : i32 to index
        %swap3A_108 = arith.constant 128 : index
        %swap3A_109 = tpu.vector_load %arg9[%swap3A_107, %swap3A_108] {strides = array<i32>} : memref<16x1792xf32, #tpu.memory_space<vmem>>, vector<1x16xf32>,
        %swap3A_110 = vector.shape_cast %swap3A_109 : vector<1x16xf32> to vector<16xf32>
        %swap3A_111 = vector.shape_cast %max3A_102 : vector<16xf32> to vector<1x16xf32>
        tpu.vector_store %arg9[%swap3A_107, %swap3A_108], %swap3A_111 {strides = array<i32>} : memref<16x1792xf32, #tpu.memory_space<vmem>>, vector<1x16xf32>,
        %swap3A_112 = arith.index_cast %scan3A_22 : i32 to index
        %swap3A_113 = arith.constant 256 : index
        %swap3A_114 = tpu.vector_load %arg9[%swap3A_112, %swap3A_113] {strides = array<i32>} : memref<16x1792xf32, #tpu.memory_space<vmem>>, vector<1x16xf32>,
        %swap3A_115 = vector.shape_cast %swap3A_114 : vector<1x16xf32> to vector<16xf32>
        %swap3A_116 = vector.shape_cast %max3A : vector<16xf32> to vector<1x16xf32>
        tpu.vector_store %arg9[%swap3A_112, %swap3A_113], %swap3A_116 {strides = array<i32>} : memref<16x1792xf32, #tpu.memory_space<vmem>>, vector<1x16xf32>,
        %swap3A_117 = arith.index_cast %scan3A_22 : i32 to index
        %swap3A_118 = arith.constant 384 : index
        %swap3A_119 = tpu.vector_load %arg9[%swap3A_117, %swap3A_118] {strides = array<i32>} : memref<16x1792xf32, #tpu.memory_space<vmem>>, vector<1x16xf32>,
        %swap3A_120 = vector.shape_cast %swap3A_119 : vector<1x16xf32> to vector<16xf32>
        %swap3A_121 = vector.shape_cast %max3A_98 : vector<16xf32> to vector<1x16xf32>
        tpu.vector_store %arg9[%swap3A_117, %swap3A_118], %swap3A_121 {strides = array<i32>} : memref<16x1792xf32, #tpu.memory_space<vmem>>, vector<1x16xf32>,
        %swap3A_122 = arith.index_cast %scan3A_22 : i32 to index
        %swap3A_123 = arith.constant 512 : index
        %swap3A_124 = tpu.vector_load %arg9[%swap3A_122, %swap3A_123] {strides = array<i32>} : memref<16x1792xf32, #tpu.memory_space<vmem>>, vector<1x16xf32>,
        %swap3A_125 = vector.shape_cast %swap3A_124 : vector<1x16xf32> to vector<16xf32>
        %swap3A_126 = vector.shape_cast %max3A_99 : vector<16xf32> to vector<1x16xf32>
        tpu.vector_store %arg9[%swap3A_122, %swap3A_123], %swap3A_126 {strides = array<i32>} : memref<16x1792xf32, #tpu.memory_space<vmem>>, vector<1x16xf32>,
        %swap3A_127 = arith.index_cast %scan3A_22 : i32 to index
        %swap3A_128 = arith.constant 640 : index
        %swap3A_129 = tpu.vector_load %arg9[%swap3A_127, %swap3A_128] {strides = array<i32>} : memref<16x1792xf32, #tpu.memory_space<vmem>>, vector<1x16xf32>,
        %swap3A_130 = vector.shape_cast %swap3A_129 : vector<1x16xf32> to vector<16xf32>
        %swap3A_131 = vector.shape_cast %max3A_100 : vector<16xf32> to vector<1x16xf32>
        tpu.vector_store %arg9[%swap3A_127, %swap3A_128], %swap3A_131 {strides = array<i32>} : memref<16x1792xf32, #tpu.memory_space<vmem>>, vector<1x16xf32>,
        %swap3A_132 = arith.index_cast %scan3A_22 : i32 to index
        %swap3A_133 = arith.constant 768 : index
        %swap3A_134 = tpu.vector_load %arg9[%swap3A_132, %swap3A_133] {strides = array<i32>} : memref<16x1792xf32, #tpu.memory_space<vmem>>, vector<1x16xf32>,
        %swap3A_135 = vector.shape_cast %swap3A_134 : vector<1x16xf32> to vector<16xf32>
        %swap3A_136 = vector.shape_cast %add3A_34 : vector<16xf32> to vector<1x16xf32>
        tpu.vector_store %arg9[%swap3A_132, %swap3A_133], %swap3A_136 {strides = array<i32>} : memref<16x1792xf32, #tpu.memory_space<vmem>>, vector<1x16xf32>,
        %swap3A_137 = arith.index_cast %scan3A_22 : i32 to index
        %swap3A_138 = arith.constant 896 : index
        %swap3A_139 = tpu.vector_load %arg9[%swap3A_137, %swap3A_138] {strides = array<i32>} : memref<16x1792xf32, #tpu.memory_space<vmem>>, vector<1x16xf32>,
        %swap3A_140 = vector.shape_cast %swap3A_139 : vector<1x16xf32> to vector<16xf32>
        %swap3A_141 = vector.shape_cast %add3A_43 : vector<16xf32> to vector<1x16xf32>
        tpu.vector_store %arg9[%swap3A_137, %swap3A_138], %swap3A_141 {strides = array<i32>} : memref<16x1792xf32, #tpu.memory_space<vmem>>, vector<1x16xf32>,
        %swap3A_142 = arith.index_cast %scan3A_22 : i32 to index
        %swap3A_143 = arith.constant 1024 : index
        %swap3A_144 = tpu.vector_load %arg9[%swap3A_142, %swap3A_143] {strides = array<i32>} : memref<16x1792xf32, #tpu.memory_space<vmem>>, vector<1x16xf32>,
        %swap3A_145 = vector.shape_cast %swap3A_144 : vector<1x16xf32> to vector<16xf32>
        %swap3A_146 = vector.shape_cast %add3A_52 : vector<16xf32> to vector<1x16xf32>
        tpu.vector_store %arg9[%swap3A_142, %swap3A_143], %swap3A_146 {strides = array<i32>} : memref<16x1792xf32, #tpu.memory_space<vmem>>, vector<1x16xf32>,
        %swap3A_147 = arith.index_cast %scan3A_22 : i32 to index
        %swap3A_148 = arith.constant 1152 : index
        %swap3A_149 = tpu.vector_load %arg9[%swap3A_147, %swap3A_148] {strides = array<i32>} : memref<16x1792xf32, #tpu.memory_space<vmem>>, vector<1x16xf32>,
        %swap3A_150 = vector.shape_cast %swap3A_149 : vector<1x16xf32> to vector<16xf32>
        %swap3A_151 = vector.shape_cast %add3A_61 : vector<16xf32> to vector<1x16xf32>
        tpu.vector_store %arg9[%swap3A_147, %swap3A_148], %swap3A_151 {strides = array<i32>} : memref<16x1792xf32, #tpu.memory_space<vmem>>, vector<1x16xf32>,
        %swap3A_152 = arith.index_cast %scan3A_22 : i32 to index
        %swap3A_153 = arith.constant 1280 : index
        %swap3A_154 = tpu.vector_load %arg9[%swap3A_152, %swap3A_153] {strides = array<i32>} : memref<16x1792xf32, #tpu.memory_space<vmem>>, vector<1x16xf32>,
        %swap3A_155 = vector.shape_cast %swap3A_154 : vector<1x16xf32> to vector<16xf32>
        %swap3A_156 = vector.shape_cast %add3A_70 : vector<16xf32> to vector<1x16xf32>
        tpu.vector_store %arg9[%swap3A_152, %swap3A_153], %swap3A_156 {strides = array<i32>} : memref<16x1792xf32, #tpu.memory_space<vmem>>, vector<1x16xf32>,
        %swap3A_157 = arith.index_cast %scan3A_22 : i32 to index
        %swap3A_158 = arith.constant 1408 : index
        %swap3A_159 = tpu.vector_load %arg9[%swap3A_157, %swap3A_158] {strides = array<i32>} : memref<16x1792xf32, #tpu.memory_space<vmem>>, vector<1x16xf32>,
        %swap3A_160 = vector.shape_cast %swap3A_159 : vector<1x16xf32> to vector<16xf32>
        %swap3A_161 = vector.shape_cast %add3A_79 : vector<16xf32> to vector<1x16xf32>
        tpu.vector_store %arg9[%swap3A_157, %swap3A_158], %swap3A_161 {strides = array<i32>} : memref<16x1792xf32, #tpu.memory_space<vmem>>, vector<1x16xf32>,
        %swap3A_162 = arith.index_cast %scan3A_22 : i32 to index
        %swap3A_163 = arith.constant 1536 : index
        %swap3A_164 = tpu.vector_load %arg9[%swap3A_162, %swap3A_163] {strides = array<i32>} : memref<16x1792xf32, #tpu.memory_space<vmem>>, vector<1x16xf32>,
        %swap3A_165 = vector.shape_cast %swap3A_164 : vector<1x16xf32> to vector<16xf32>
        %swap3A_166 = vector.shape_cast %add3A_88 : vector<16xf32> to vector<1x16xf32>
        tpu.vector_store %arg9[%swap3A_162, %swap3A_163], %swap3A_166 {strides = array<i32>} : memref<16x1792xf32, #tpu.memory_space<vmem>>, vector<1x16xf32>,
        %swap3A_167 = arith.index_cast %scan3A_22 : i32 to index
        %swap3A_168 = arith.constant 1664 : index
        %swap3A_169 = tpu.vector_load %arg9[%swap3A_167, %swap3A_168] {strides = array<i32>} : memref<16x1792xf32, #tpu.memory_space<vmem>>, vector<1x16xf32>,
        %swap3A_170 = vector.shape_cast %swap3A_169 : vector<1x16xf32> to vector<16xf32>
        %swap3A_171 = vector.shape_cast %add3A_97 : vector<16xf32> to vector<1x16xf32>
        tpu.vector_store %arg9[%swap3A_167, %swap3A_168], %swap3A_171 {strides = array<i32>} : memref<16x1792xf32, #tpu.memory_space<vmem>>, vector<1x16xf32>,
        %get3A_172 = arith.index_cast %scan3A_22 : i32 to index
        %get3A_173 = arith.constant 16 : index
        %get3A_174 = tpu.vector_load %arg8[%get3A_172, %get3A_173] {strides = array<i32>} : memref<16x128xf32, #tpu.memory_space<vmem>>, vector<1x16xf32>,
        %get3A_175 = vector.shape_cast %get3A_174 : vector<1x16xf32> to vector<16xf32>
        %mul3A_176 = arith.constant 8 : i32
        %mul3A_177 = arith.muli %scan3A_22, %mul3A_176 : i32
        %add3A_178 = arith.constant 0 : i32
        %add3A_179 = arith.addi %mul3A_177, %add3A_178 : i32
        %get3A_180 = arith.index_cast %add3A_179 : i32 to index
        %get3A_181 = arith.constant 16 : index
        %get3A_182 = tpu.vector_load %arg7[%get3A_180, %get3A_181] {strides = array<i32>} : memref<128x128xf32, #tpu.memory_space<vmem>>, vector<1x16xf32>,
        %get3A_183 = vector.shape_cast %get3A_182 : vector<1x16xf32> to vector<16xf32>
        %add3A_184 = arith.addf %get3A_183, %get3A_175 : vector<16xf32>
        %mul3A_185 = arith.constant 8 : i32
        %mul3A_186 = arith.muli %scan3A_22, %mul3A_185 : i32
        %add3A_187 = arith.constant 1 : i32
        %add3A_188 = arith.addi %mul3A_186, %add3A_187 : i32
        %get3A_189 = arith.index_cast %add3A_188 : i32 to index
        %get3A_190 = arith.constant 16 : index
        %get3A_191 = tpu.vector_load %arg7[%get3A_189, %get3A_190] {strides = array<i32>} : memref<128x128xf32, #tpu.memory_space<vmem>>, vector<1x16xf32>,
        %get3A_192 = vector.shape_cast %get3A_191 : vector<1x16xf32> to vector<16xf32>
        %add3A_193 = arith.addf %get3A_192, %get3A_175 : vector<16xf32>
        %mul3A_194 = arith.constant 8 : i32
        %mul3A_195 = arith.muli %scan3A_22, %mul3A_194 : i32
        %add3A_196 = arith.constant 2 : i32
        %add3A_197 = arith.addi %mul3A_195, %add3A_196 : i32
        %get3A_198 = arith.index_cast %add3A_197 : i32 to index
        %get3A_199 = arith.constant 16 : index
        %get3A_200 = tpu.vector_load %arg7[%get3A_198, %get3A_199] {strides = array<i32>} : memref<128x128xf32, #tpu.memory_space<vmem>>, vector<1x16xf32>,
        %get3A_201 = vector.shape_cast %get3A_200 : vector<1x16xf32> to vector<16xf32>
        %add3A_202 = arith.addf %get3A_201, %get3A_175 : vector<16xf32>
        %mul3A_203 = arith.constant 8 : i32
        %mul3A_204 = arith.muli %scan3A_22, %mul3A_203 : i32
        %add3A_205 = arith.constant 3 : i32
        %add3A_206 = arith.addi %mul3A_204, %add3A_205 : i32
        %get3A_207 = arith.index_cast %add3A_206 : i32 to index
        %get3A_208 = arith.constant 16 : index
        %get3A_209 = tpu.vector_load %arg7[%get3A_207, %get3A_208] {strides = array<i32>} : memref<128x128xf32, #tpu.memory_space<vmem>>, vector<1x16xf32>,
        %get3A_210 = vector.shape_cast %get3A_209 : vector<1x16xf32> to vector<16xf32>
        %add3A_211 = arith.addf %get3A_210, %get3A_175 : vector<16xf32>
        %mul3A_212 = arith.constant 8 : i32
        %mul3A_213 = arith.muli %scan3A_22, %mul3A_212 : i32
        %add3A_214 = arith.constant 4 : i32
        %add3A_215 = arith.addi %mul3A_213, %add3A_214 : i32
        %get3A_216 = arith.index_cast %add3A_215 : i32 to index
        %get3A_217 = arith.constant 16 : index
        %get3A_218 = tpu.vector_load %arg7[%get3A_216, %get3A_217] {strides = array<i32>} : memref<128x128xf32, #tpu.memory_space<vmem>>, vector<1x16xf32>,
        %get3A_219 = vector.shape_cast %get3A_218 : vector<1x16xf32> to vector<16xf32>
        %add3A_220 = arith.addf %get3A_219, %get3A_175 : vector<16xf32>
        %mul3A_221 = arith.constant 8 : i32
        %mul3A_222 = arith.muli %scan3A_22, %mul3A_221 : i32
        %add3A_223 = arith.constant 5 : i32
        %add3A_224 = arith.addi %mul3A_222, %add3A_223 : i32
        %get3A_225 = arith.index_cast %add3A_224 : i32 to index
        %get3A_226 = arith.constant 16 : index
        %get3A_227 = tpu.vector_load %arg7[%get3A_225, %get3A_226] {strides = array<i32>} : memref<128x128xf32, #tpu.memory_space<vmem>>, vector<1x16xf32>,
        %get3A_228 = vector.shape_cast %get3A_227 : vector<1x16xf32> to vector<16xf32>
        %add3A_229 = arith.addf %get3A_228, %get3A_175 : vector<16xf32>
        %mul3A_230 = arith.constant 8 : i32
        %mul3A_231 = arith.muli %scan3A_22, %mul3A_230 : i32
        %add3A_232 = arith.constant 6 : i32
        %add3A_233 = arith.addi %mul3A_231, %add3A_232 : i32
        %get3A_234 = arith.index_cast %add3A_233 : i32 to index
        %get3A_235 = arith.constant 16 : index
        %get3A_236 = tpu.vector_load %arg7[%get3A_234, %get3A_235] {strides = array<i32>} : memref<128x128xf32, #tpu.memory_space<vmem>>, vector<1x16xf32>,
        %get3A_237 = vector.shape_cast %get3A_236 : vector<1x16xf32> to vector<16xf32>
        %add3A_238 = arith.addf %get3A_237, %get3A_175 : vector<16xf32>
        %mul3A_239 = arith.constant 8 : i32
        %mul3A_240 = arith.muli %scan3A_22, %mul3A_239 : i32
        %add3A_241 = arith.constant 7 : i32
        %add3A_242 = arith.addi %mul3A_240, %add3A_241 : i32
        %get3A_243 = arith.index_cast %add3A_242 : i32 to index
        %get3A_244 = arith.constant 16 : index
        %get3A_245 = tpu.vector_load %arg7[%get3A_243, %get3A_244] {strides = array<i32>} : memref<128x128xf32, #tpu.memory_space<vmem>>, vector<1x16xf32>,
        %get3A_246 = vector.shape_cast %get3A_245 : vector<1x16xf32> to vector<16xf32>
        %add3A_247 = arith.addf %get3A_246, %get3A_175 : vector<16xf32>
        %max3A_248 = arith.maximumf %add3A_184, %add3A_193 : vector<16xf32>
        %max3A_249 = arith.maximumf %add3A_202, %add3A_211 : vector<16xf32>
        %max3A_250 = arith.maximumf %add3A_220, %add3A_229 : vector<16xf32>
        %max3A_251 = arith.maximumf %add3A_238, %add3A_247 : vector<16xf32>
        %max3A_252 = arith.maximumf %max3A_248, %max3A_249 : vector<16xf32>
        %max3A_253 = arith.maximumf %max3A_250, %max3A_251 : vector<16xf32>
        %swap3A_254 = arith.index_cast %scan3A_22 : i32 to index
        %swap3A_255 = arith.constant 16 : index
        %swap3A_256 = tpu.vector_load %arg9[%swap3A_254, %swap3A_255] {strides = array<i32>} : memref<16x1792xf32, #tpu.memory_space<vmem>>, vector<1x16xf32>,
        %swap3A_257 = vector.shape_cast %swap3A_256 : vector<1x16xf32> to vector<16xf32>
        %swap3A_258 = vector.shape_cast %max3A_252 : vector<16xf32> to vector<1x16xf32>
        tpu.vector_store %arg9[%swap3A_254, %swap3A_255], %swap3A_258 {strides = array<i32>} : memref<16x1792xf32, #tpu.memory_space<vmem>>, vector<1x16xf32>,
        %swap3A_259 = arith.index_cast %scan3A_22 : i32 to index
        %swap3A_260 = arith.constant 144 : index
        %swap3A_261 = tpu.vector_load %arg9[%swap3A_259, %swap3A_260] {strides = array<i32>} : memref<16x1792xf32, #tpu.memory_space<vmem>>, vector<1x16xf32>,
        %swap3A_262 = vector.shape_cast %swap3A_261 : vector<1x16xf32> to vector<16xf32>
        %swap3A_263 = vector.shape_cast %max3A_253 : vector<16xf32> to vector<1x16xf32>
        tpu.vector_store %arg9[%swap3A_259, %swap3A_260], %swap3A_263 {strides = array<i32>} : memref<16x1792xf32, #tpu.memory_space<vmem>>, vector<1x16xf32>,
        %swap3A_264 = arith.index_cast %scan3A_22 : i32 to index
        %swap3A_265 = arith.constant 272 : index
        %swap3A_266 = tpu.vector_load %arg9[%swap3A_264, %swap3A_265] {strides = array<i32>} : memref<16x1792xf32, #tpu.memory_space<vmem>>, vector<1x16xf32>,
        %swap3A_267 = vector.shape_cast %swap3A_266 : vector<1x16xf32> to vector<16xf32>
        %swap3A_268 = vector.shape_cast %max3A_248 : vector<16xf32> to vector<1x16xf32>
        tpu.vector_store %arg9[%swap3A_264, %swap3A_265], %swap3A_268 {strides = array<i32>} : memref<16x1792xf32, #tpu.memory_space<vmem>>, vector<1x16xf32>,
        %swap3A_269 = arith.index_cast %scan3A_22 : i32 to index
        %swap3A_270 = arith.constant 400 : index
        %swap3A_271 = tpu.vector_load %arg9[%swap3A_269, %swap3A_270] {strides = array<i32>} : memref<16x1792xf32, #tpu.memory_space<vmem>>, vector<1x16xf32>,
        %swap3A_272 = vector.shape_cast %swap3A_271 : vector<1x16xf32> to vector<16xf32>
        %swap3A_273 = vector.shape_cast %max3A_249 : vector<16xf32> to vector<1x16xf32>
        tpu.vector_store %arg9[%swap3A_269, %swap3A_270], %swap3A_273 {strides = array<i32>} : memref<16x1792xf32, #tpu.memory_space<vmem>>, vector<1x16xf32>,
        %swap3A_274 = arith.index_cast %scan3A_22 : i32 to index
        %swap3A_275 = arith.constant 528 : index
        %swap3A_276 = tpu.vector_load %arg9[%swap3A_274, %swap3A_275] {strides = array<i32>} : memref<16x1792xf32, #tpu.memory_space<vmem>>, vector<1x16xf32>,
        %swap3A_277 = vector.shape_cast %swap3A_276 : vector<1x16xf32> to vector<16xf32>
        %swap3A_278 = vector.shape_cast %max3A_250 : vector<16xf32> to vector<1x16xf32>
        tpu.vector_store %arg9[%swap3A_274, %swap3A_275], %swap3A_278 {strides = array<i32>} : memref<16x1792xf32, #tpu.memory_space<vmem>>, vector<1x16xf32>,
        %swap3A_279 = arith.index_cast %scan3A_22 : i32 to index
        %swap3A_280 = arith.constant 656 : index
        %swap3A_281 = tpu.vector_load %arg9[%swap3A_279, %swap3A_280] {strides = array<i32>} : memref<16x1792xf32, #tpu.memory_space<vmem>>, vector<1x16xf32>,
        %swap3A_282 = vector.shape_cast %swap3A_281 : vector<1x16xf32> to vector<16xf32>
        %swap3A_283 = vector.shape_cast %max3A_251 : vector<16xf32> to vector<1x16xf32>
        tpu.vector_store %arg9[%swap3A_279, %swap3A_280], %swap3A_283 {strides = array<i32>} : memref<16x1792xf32, #tpu.memory_space<vmem>>, vector<1x16xf32>,
        %swap3A_284 = arith.index_cast %scan3A_22 : i32 to index
        %swap3A_285 = arith.constant 784 : index
        %swap3A_286 = tpu.vector_load %arg9[%swap3A_284, %swap3A_285] {strides = array<i32>} : memref<16x1792xf32, #tpu.memory_space<vmem>>, vector<1x16xf32>,
        %swap3A_287 = vector.shape_cast %swap3A_286 : vector<1x16xf32> to vector<16xf32>
        %swap3A_288 = vector.shape_cast %add3A_184 : vector<16xf32> to vector<1x16xf32>
        tpu.vector_store %arg9[%swap3A_284, %swap3A_285], %swap3A_288 {strides = array<i32>} : memref<16x1792xf32, #tpu.memory_space<vmem>>, vector<1x16xf32>,
        %swap3A_289 = arith.index_cast %scan3A_22 : i32 to index
        %swap3A_290 = arith.constant 912 : index
        %swap3A_291 = tpu.vector_load %arg9[%swap3A_289, %swap3A_290] {strides = array<i32>} : memref<16x1792xf32, #tpu.memory_space<vmem>>, vector<1x16xf32>,
        %swap3A_292 = vector.shape_cast %swap3A_291 : vector<1x16xf32> to vector<16xf32>
        %swap3A_293 = vector.shape_cast %add3A_193 : vector<16xf32> to vector<1x16xf32>
        tpu.vector_store %arg9[%swap3A_289, %swap3A_290], %swap3A_293 {strides = array<i32>} : memref<16x1792xf32, #tpu.memory_space<vmem>>, vector<1x16xf32>,
        %swap3A_294 = arith.index_cast %scan3A_22 : i32 to index
        %swap3A_295 = arith.constant 1040 : index
        %swap3A_296 = tpu.vector_load %arg9[%swap3A_294, %swap3A_295] {strides = array<i32>} : memref<16x1792xf32, #tpu.memory_space<vmem>>, vector<1x16xf32>,
        %swap3A_297 = vector.shape_cast %swap3A_296 : vector<1x16xf32> to vector<16xf32>
        %swap3A_298 = vector.shape_cast %add3A_202 : vector<16xf32> to vector<1x16xf32>
        tpu.vector_store %arg9[%swap3A_294, %swap3A_295], %swap3A_298 {strides = array<i32>} : memref<16x1792xf32, #tpu.memory_space<vmem>>, vector<1x16xf32>,
        %swap3A_299 = arith.index_cast %scan3A_22 : i32 to index
        %swap3A_300 = arith.constant 1168 : index
        %swap3A_301 = tpu.vector_load %arg9[%swap3A_299, %swap3A_300] {strides = array<i32>} : memref<16x1792xf32, #tpu.memory_space<vmem>>, vector<1x16xf32>,
        %swap3A_302 = vector.shape_cast %swap3A_301 : vector<1x16xf32> to vector<16xf32>
        %swap3A_303 = vector.shape_cast %add3A_211 : vector<16xf32> to vector<1x16xf32>
        tpu.vector_store %arg9[%swap3A_299, %swap3A_300], %swap3A_303 {strides = array<i32>} : memref<16x1792xf32, #tpu.memory_space<vmem>>, vector<1x16xf32>,
        %swap3A_304 = arith.index_cast %scan3A_22 : i32 to index
        %swap3A_305 = arith.constant 1296 : index
        %swap3A_306 = tpu.vector_load %arg9[%swap3A_304, %swap3A_305] {strides = array<i32>} : memref<16x1792xf32, #tpu.memory_space<vmem>>, vector<1x16xf32>,
        %swap3A_307 = vector.shape_cast %swap3A_306 : vector<1x16xf32> to vector<16xf32>
        %swap3A_308 = vector.shape_cast %add3A_220 : vector<16xf32> to vector<1x16xf32>
        tpu.vector_store %arg9[%swap3A_304, %swap3A_305], %swap3A_308 {strides = array<i32>} : memref<16x1792xf32, #tpu.memory_space<vmem>>, vector<1x16xf32>,
        %swap3A_309 = arith.index_cast %scan3A_22 : i32 to index
        %swap3A_310 = arith.constant 1424 : index
        %swap3A_311 = tpu.vector_load %arg9[%swap3A_309, %swap3A_310] {strides = array<i32>} : memref<16x1792xf32, #tpu.memory_space<vmem>>, vector<1x16xf32>,
        %swap3A_312 = vector.shape_cast %swap3A_311 : vector<1x16xf32> to vector<16xf32>
        %swap3A_313 = vector.shape_cast %add3A_229 : vector<16xf32> to vector<1x16xf32>
        tpu.vector_store %arg9[%swap3A_309, %swap3A_310], %swap3A_313 {strides = array<i32>} : memref<16x1792xf32, #tpu.memory_space<vmem>>, vector<1x16xf32>,
        %swap3A_314 = arith.index_cast %scan3A_22 : i32 to index
        %swap3A_315 = arith.constant 1552 : index
        %swap3A_316 = tpu.vector_load %arg9[%swap3A_314, %swap3A_315] {strides = array<i32>} : memref<16x1792xf32, #tpu.memory_space<vmem>>, vector<1x16xf32>,
        %swap3A_317 = vector.shape_cast %swap3A_316 : vector<1x16xf32> to vector<16xf32>
        %swap3A_318 = vector.shape_cast %add3A_238 : vector<16xf32> to vector<1x16xf32>
        tpu.vector_store %arg9[%swap3A_314, %swap3A_315], %swap3A_318 {strides = array<i32>} : memref<16x1792xf32, #tpu.memory_space<vmem>>, vector<1x16xf32>,
        %swap3A_319 = arith.index_cast %scan3A_22 : i32 to index
        %swap3A_320 = arith.constant 1680 : index
        %swap3A_321 = tpu.vector_load %arg9[%swap3A_319, %swap3A_320] {strides = array<i32>} : memref<16x1792xf32, #tpu.memory_space<vmem>>, vector<1x16xf32>,
        %swap3A_322 = vector.shape_cast %swap3A_321 : vector<1x16xf32> to vector<16xf32>
        %swap3A_323 = vector.shape_cast %add3A_247 : vector<16xf32> to vector<1x16xf32>
        tpu.vector_store %arg9[%swap3A_319, %swap3A_320], %swap3A_323 {strides = array<i32>} : memref<16x1792xf32, #tpu.memory_space<vmem>>, vector<1x16xf32>,
        %get3A_324 = arith.index_cast %scan3A_22 : i32 to index
        %get3A_325 = arith.constant 32 : index
        %get3A_326 = tpu.vector_load %arg8[%get3A_324, %get3A_325] {strides = array<i32>} : memref<16x128xf32, #tpu.memory_space<vmem>>, vector<1x16xf32>,
        %get3A_327 = vector.shape_cast %get3A_326 : vector<1x16xf32> to vector<16xf32>
        %mul3A_328 = arith.constant 8 : i32
        %mul3A_329 = arith.muli %scan3A_22, %mul3A_328 : i32
        %add3A_330 = arith.constant 0 : i32
        %add3A_331 = arith.addi %mul3A_329, %add3A_330 : i32
        %get3A_332 = arith.index_cast %add3A_331 : i32 to index
        %get3A_333 = arith.constant 32 : index
        %get3A_334 = tpu.vector_load %arg7[%get3A_332, %get3A_333] {strides = array<i32>} : memref<128x128xf32, #tpu.memory_space<vmem>>, vector<1x16xf32>,
        %get3A_335 = vector.shape_cast %get3A_334 : vector<1x16xf32> to vector<16xf32>
        %add3A_336 = arith.addf %get3A_335, %get3A_327 : vector<16xf32>
        %mul3A_337 = arith.constant 8 : i32
        %mul3A_338 = arith.muli %scan3A_22, %mul3A_337 : i32
        %add3A_339 = arith.constant 1 : i32
        %add3A_340 = arith.addi %mul3A_338, %add3A_339 : i32
        %get3A_341 = arith.index_cast %add3A_340 : i32 to index
        %get3A_342 = arith.constant 32 : index
        %get3A_343 = tpu.vector_load %arg7[%get3A_341, %get3A_342] {strides = array<i32>} : memref<128x128xf32, #tpu.memory_space<vmem>>, vector<1x16xf32>,
        %get3A_344 = vector.shape_cast %get3A_343 : vector<1x16xf32> to vector<16xf32>
        %add3A_345 = arith.addf %get3A_344, %get3A_327 : vector<16xf32>
        %mul3A_346 = arith.constant 8 : i32
        %mul3A_347 = arith.muli %scan3A_22, %mul3A_346 : i32
        %add3A_348 = arith.constant 2 : i32
        %add3A_349 = arith.addi %mul3A_347, %add3A_348 : i32
        %get3A_350 = arith.index_cast %add3A_349 : i32 to index
        %get3A_351 = arith.constant 32 : index
        %get3A_352 = tpu.vector_load %arg7[%get3A_350, %get3A_351] {strides = array<i32>} : memref<128x128xf32, #tpu.memory_space<vmem>>, vector<1x16xf32>,
        %get3A_353 = vector.shape_cast %get3A_352 : vector<1x16xf32> to vector<16xf32>
        %add3A_354 = arith.addf %get3A_353, %get3A_327 : vector<16xf32>
        %mul3A_355 = arith.constant 8 : i32
        %mul3A_356 = arith.muli %scan3A_22, %mul3A_355 : i32
        %add3A_357 = arith.constant 3 : i32
        %add3A_358 = arith.addi %mul3A_356, %add3A_357 : i32
        %get3A_359 = arith.index_cast %add3A_358 : i32 to index
        %get3A_360 = arith.constant 32 : index
        %get3A_361 = tpu.vector_load %arg7[%get3A_359, %get3A_360] {strides = array<i32>} : memref<128x128xf32, #tpu.memory_space<vmem>>, vector<1x16xf32>,
        %get3A_362 = vector.shape_cast %get3A_361 : vector<1x16xf32> to vector<16xf32>
        %add3A_363 = arith.addf %get3A_362, %get3A_327 : vector<16xf32>
        %mul3A_364 = arith.constant 8 : i32
        %mul3A_365 = arith.muli %scan3A_22, %mul3A_364 : i32
        %add3A_366 = arith.constant 4 : i32
        %add3A_367 = arith.addi %mul3A_365, %add3A_366 : i32
        %get3A_368 = arith.index_cast %add3A_367 : i32 to index
        %get3A_369 = arith.constant 32 : index
        %get3A_370 = tpu.vector_load %arg7[%get3A_368, %get3A_369] {strides = array<i32>} : memref<128x128xf32, #tpu.memory_space<vmem>>, vector<1x16xf32>,
        %get3A_371 = vector.shape_cast %get3A_370 : vector<1x16xf32> to vector<16xf32>
        %add3A_372 = arith.addf %get3A_371, %get3A_327 : vector<16xf32>
        %mul3A_373 = arith.constant 8 : i32
        %mul3A_374 = arith.muli %scan3A_22, %mul3A_373 : i32
        %add3A_375 = arith.constant 5 : i32
        %add3A_376 = arith.addi %mul3A_374, %add3A_375 : i32
        %get3A_377 = arith.index_cast %add3A_376 : i32 to index
        %get3A_378 = arith.constant 32 : index
        %get3A_379 = tpu.vector_load %arg7[%get3A_377, %get3A_378] {strides = array<i32>} : memref<128x128xf32, #tpu.memory_space<vmem>>, vector<1x16xf32>,
        %get3A_380 = vector.shape_cast %get3A_379 : vector<1x16xf32> to vector<16xf32>
        %add3A_381 = arith.addf %get3A_380, %get3A_327 : vector<16xf32>
        %mul3A_382 = arith.constant 8 : i32
        %mul3A_383 = arith.muli %scan3A_22, %mul3A_382 : i32
        %add3A_384 = arith.constant 6 : i32
        %add3A_385 = arith.addi %mul3A_383, %add3A_384 : i32
        %get3A_386 = arith.index_cast %add3A_385 : i32 to index
        %get3A_387 = arith.constant 32 : index
        %get3A_388 = tpu.vector_load %arg7[%get3A_386, %get3A_387] {strides = array<i32>} : memref<128x128xf32, #tpu.memory_space<vmem>>, vector<1x16xf32>,
        %get3A_389 = vector.shape_cast %get3A_388 : vector<1x16xf32> to vector<16xf32>
        %add3A_390 = arith.addf %get3A_389, %get3A_327 : vector<16xf32>
        %mul3A_391 = arith.constant 8 : i32
        %mul3A_392 = arith.muli %scan3A_22, %mul3A_391 : i32
        %add3A_393 = arith.constant 7 : i32
        %add3A_394 = arith.addi %mul3A_392, %add3A_393 : i32
        %get3A_395 = arith.index_cast %add3A_394 : i32 to index
        %get3A_396 = arith.constant 32 : index
        %get3A_397 = tpu.vector_load %arg7[%get3A_395, %get3A_396] {strides = array<i32>} : memref<128x128xf32, #tpu.memory_space<vmem>>, vector<1x16xf32>,
        %get3A_398 = vector.shape_cast %get3A_397 : vector<1x16xf32> to vector<16xf32>
        %add3A_399 = arith.addf %get3A_398, %get3A_327 : vector<16xf32>
        %max3A_400 = arith.maximumf %add3A_336, %add3A_345 : vector<16xf32>
        %max3A_401 = arith.maximumf %add3A_354, %add3A_363 : vector<16xf32>
        %max3A_402 = arith.maximumf %add3A_372, %add3A_381 : vector<16xf32>
        %max3A_403 = arith.maximumf %add3A_390, %add3A_399 : vector<16xf32>
        %max3A_404 = arith.maximumf %max3A_400, %max3A_401 : vector<16xf32>
        %max3A_405 = arith.maximumf %max3A_402, %max3A_403 : vector<16xf32>
        %swap3A_406 = arith.index_cast %scan3A_22 : i32 to index
        %swap3A_407 = arith.constant 32 : index
        %swap3A_408 = tpu.vector_load %arg9[%swap3A_406, %swap3A_407] {strides = array<i32>} : memref<16x1792xf32, #tpu.memory_space<vmem>>, vector<1x16xf32>,
        %swap3A_409 = vector.shape_cast %swap3A_408 : vector<1x16xf32> to vector<16xf32>
        %swap3A_410 = vector.shape_cast %max3A_404 : vector<16xf32> to vector<1x16xf32>
        tpu.vector_store %arg9[%swap3A_406, %swap3A_407], %swap3A_410 {strides = array<i32>} : memref<16x1792xf32, #tpu.memory_space<vmem>>, vector<1x16xf32>,
        %swap3A_411 = arith.index_cast %scan3A_22 : i32 to index
        %swap3A_412 = arith.constant 160 : index
        %swap3A_413 = tpu.vector_load %arg9[%swap3A_411, %swap3A_412] {strides = array<i32>} : memref<16x1792xf32, #tpu.memory_space<vmem>>, vector<1x16xf32>,
        %swap3A_414 = vector.shape_cast %swap3A_413 : vector<1x16xf32> to vector<16xf32>
        %swap3A_415 = vector.shape_cast %max3A_405 : vector<16xf32> to vector<1x16xf32>
        tpu.vector_store %arg9[%swap3A_411, %swap3A_412], %swap3A_415 {strides = array<i32>} : memref<16x1792xf32, #tpu.memory_space<vmem>>, vector<1x16xf32>,
        %swap3A_416 = arith.index_cast %scan3A_22 : i32 to index
        %swap3A_417 = arith.constant 288 : index
        %swap3A_418 = tpu.vector_load %arg9[%swap3A_416, %swap3A_417] {strides = array<i32>} : memref<16x1792xf32, #tpu.memory_space<vmem>>, vector<1x16xf32>,
        %swap3A_419 = vector.shape_cast %swap3A_418 : vector<1x16xf32> to vector<16xf32>
        %swap3A_420 = vector.shape_cast %max3A_400 : vector<16xf32> to vector<1x16xf32>
        tpu.vector_store %arg9[%swap3A_416, %swap3A_417], %swap3A_420 {strides = array<i32>} : memref<16x1792xf32, #tpu.memory_space<vmem>>, vector<1x16xf32>,
        %swap3A_421 = arith.index_cast %scan3A_22 : i32 to index
        %swap3A_422 = arith.constant 416 : index
        %swap3A_423 = tpu.vector_load %arg9[%swap3A_421, %swap3A_422] {strides = array<i32>} : memref<16x1792xf32, #tpu.memory_space<vmem>>, vector<1x16xf32>,
        %swap3A_424 = vector.shape_cast %swap3A_423 : vector<1x16xf32> to vector<16xf32>
        %swap3A_425 = vector.shape_cast %max3A_401 : vector<16xf32> to vector<1x16xf32>
        tpu.vector_store %arg9[%swap3A_421, %swap3A_422], %swap3A_425 {strides = array<i32>} : memref<16x1792xf32, #tpu.memory_space<vmem>>, vector<1x16xf32>,
        %swap3A_426 = arith.index_cast %scan3A_22 : i32 to index
        %swap3A_427 = arith.constant 544 : index
        %swap3A_428 = tpu.vector_load %arg9[%swap3A_426, %swap3A_427] {strides = array<i32>} : memref<16x1792xf32, #tpu.memory_space<vmem>>, vector<1x16xf32>,
        %swap3A_429 = vector.shape_cast %swap3A_428 : vector<1x16xf32> to vector<16xf32>
        %swap3A_430 = vector.shape_cast %max3A_402 : vector<16xf32> to vector<1x16xf32>
        tpu.vector_store %arg9[%swap3A_426, %swap3A_427], %swap3A_430 {strides = array<i32>} : memref<16x1792xf32, #tpu.memory_space<vmem>>, vector<1x16xf32>,
        %swap3A_431 = arith.index_cast %scan3A_22 : i32 to index
        %swap3A_432 = arith.constant 672 : index
        %swap3A_433 = tpu.vector_load %arg9[%swap3A_431, %swap3A_432] {strides = array<i32>} : memref<16x1792xf32, #tpu.memory_space<vmem>>, vector<1x16xf32>,
        %swap3A_434 = vector.shape_cast %swap3A_433 : vector<1x16xf32> to vector<16xf32>
        %swap3A_435 = vector.shape_cast %max3A_403 : vector<16xf32> to vector<1x16xf32>
        tpu.vector_store %arg9[%swap3A_431, %swap3A_432], %swap3A_435 {strides = array<i32>} : memref<16x1792xf32, #tpu.memory_space<vmem>>, vector<1x16xf32>,
        %swap3A_436 = arith.index_cast %scan3A_22 : i32 to index
        %swap3A_437 = arith.constant 800 : index
        %swap3A_438 = tpu.vector_load %arg9[%swap3A_436, %swap3A_437] {strides = array<i32>} : memref<16x1792xf32, #tpu.memory_space<vmem>>, vector<1x16xf32>,
        %swap3A_439 = vector.shape_cast %swap3A_438 : vector<1x16xf32> to vector<16xf32>
        %swap3A_440 = vector.shape_cast %add3A_336 : vector<16xf32> to vector<1x16xf32>
        tpu.vector_store %arg9[%swap3A_436, %swap3A_437], %swap3A_440 {strides = array<i32>} : memref<16x1792xf32, #tpu.memory_space<vmem>>, vector<1x16xf32>,
        %swap3A_441 = arith.index_cast %scan3A_22 : i32 to index
        %swap3A_442 = arith.constant 928 : index
        %swap3A_443 = tpu.vector_load %arg9[%swap3A_441, %swap3A_442] {strides = array<i32>} : memref<16x1792xf32, #tpu.memory_space<vmem>>, vector<1x16xf32>,
        %swap3A_444 = vector.shape_cast %swap3A_443 : vector<1x16xf32> to vector<16xf32>
        %swap3A_445 = vector.shape_cast %add3A_345 : vector<16xf32> to vector<1x16xf32>
        tpu.vector_store %arg9[%swap3A_441, %swap3A_442], %swap3A_445 {strides = array<i32>} : memref<16x1792xf32, #tpu.memory_space<vmem>>, vector<1x16xf32>,
        %swap3A_446 = arith.index_cast %scan3A_22 : i32 to index
        %swap3A_447 = arith.constant 1056 : index
        %swap3A_448 = tpu.vector_load %arg9[%swap3A_446, %swap3A_447] {strides = array<i32>} : memref<16x1792xf32, #tpu.memory_space<vmem>>, vector<1x16xf32>,
        %swap3A_449 = vector.shape_cast %swap3A_448 : vector<1x16xf32> to vector<16xf32>
        %swap3A_450 = vector.shape_cast %add3A_354 : vector<16xf32> to vector<1x16xf32>
        tpu.vector_store %arg9[%swap3A_446, %swap3A_447], %swap3A_450 {strides = array<i32>} : memref<16x1792xf32, #tpu.memory_space<vmem>>, vector<1x16xf32>,
        %swap3A_451 = arith.index_cast %scan3A_22 : i32 to index
        %swap3A_452 = arith.constant 1184 : index
        %swap3A_453 = tpu.vector_load %arg9[%swap3A_451, %swap3A_452] {strides = array<i32>} : memref<16x1792xf32, #tpu.memory_space<vmem>>, vector<1x16xf32>,
        %swap3A_454 = vector.shape_cast %swap3A_453 : vector<1x16xf32> to vector<16xf32>
        %swap3A_455 = vector.shape_cast %add3A_363 : vector<16xf32> to vector<1x16xf32>
        tpu.vector_store %arg9[%swap3A_451, %swap3A_452], %swap3A_455 {strides = array<i32>} : memref<16x1792xf32, #tpu.memory_space<vmem>>, vector<1x16xf32>,
        %swap3A_456 = arith.index_cast %scan3A_22 : i32 to index
        %swap3A_457 = arith.constant 1312 : index
        %swap3A_458 = tpu.vector_load %arg9[%swap3A_456, %swap3A_457] {strides = array<i32>} : memref<16x1792xf32, #tpu.memory_space<vmem>>, vector<1x16xf32>,
        %swap3A_459 = vector.shape_cast %swap3A_458 : vector<1x16xf32> to vector<16xf32>
        %swap3A_460 = vector.shape_cast %add3A_372 : vector<16xf32> to vector<1x16xf32>
        tpu.vector_store %arg9[%swap3A_456, %swap3A_457], %swap3A_460 {strides = array<i32>} : memref<16x1792xf32, #tpu.memory_space<vmem>>, vector<1x16xf32>,
        %swap3A_461 = arith.index_cast %scan3A_22 : i32 to index
        %swap3A_462 = arith.constant 1440 : index
        %swap3A_463 = tpu.vector_load %arg9[%swap3A_461, %swap3A_462] {strides = array<i32>} : memref<16x1792xf32, #tpu.memory_space<vmem>>, vector<1x16xf32>,
        %swap3A_464 = vector.shape_cast %swap3A_463 : vector<1x16xf32> to vector<16xf32>
        %swap3A_465 = vector.shape_cast %add3A_381 : vector<16xf32> to vector<1x16xf32>
        tpu.vector_store %arg9[%swap3A_461, %swap3A_462], %swap3A_465 {strides = array<i32>} : memref<16x1792xf32, #tpu.memory_space<vmem>>, vector<1x16xf32>,
        %swap3A_466 = arith.index_cast %scan3A_22 : i32 to index
        %swap3A_467 = arith.constant 1568 : index
        %swap3A_468 = tpu.vector_load %arg9[%swap3A_466, %swap3A_467] {strides = array<i32>} : memref<16x1792xf32, #tpu.memory_space<vmem>>, vector<1x16xf32>,
        %swap3A_469 = vector.shape_cast %swap3A_468 : vector<1x16xf32> to vector<16xf32>
        %swap3A_470 = vector.shape_cast %add3A_390 : vector<16xf32> to vector<1x16xf32>
        tpu.vector_store %arg9[%swap3A_466, %swap3A_467], %swap3A_470 {strides = array<i32>} : memref<16x1792xf32, #tpu.memory_space<vmem>>, vector<1x16xf32>,
        %swap3A_471 = arith.index_cast %scan3A_22 : i32 to index
        %swap3A_472 = arith.constant 1696 : index
        %swap3A_473 = tpu.vector_load %arg9[%swap3A_471, %swap3A_472] {strides = array<i32>} : memref<16x1792xf32, #tpu.memory_space<vmem>>, vector<1x16xf32>,
        %swap3A_474 = vector.shape_cast %swap3A_473 : vector<1x16xf32> to vector<16xf32>
        %swap3A_475 = vector.shape_cast %add3A_399 : vector<16xf32> to vector<1x16xf32>
        tpu.vector_store %arg9[%swap3A_471, %swap3A_472], %swap3A_475 {strides = array<i32>} : memref<16x1792xf32, #tpu.memory_space<vmem>>, vector<1x16xf32>,
        %get3A_476 = arith.index_cast %scan3A_22 : i32 to index
        %get3A_477 = arith.constant 48 : index
        %get3A_478 = tpu.vector_load %arg8[%get3A_476, %get3A_477] {strides = array<i32>} : memref<16x128xf32, #tpu.memory_space<vmem>>, vector<1x16xf32>,
        %get3A_479 = vector.shape_cast %get3A_478 : vector<1x16xf32> to vector<16xf32>
        %mul3A_480 = arith.constant 8 : i32
        %mul3A_481 = arith.muli %scan3A_22, %mul3A_480 : i32
        %add3A_482 = arith.constant 0 : i32
        %add3A_483 = arith.addi %mul3A_481, %add3A_482 : i32
        %get3A_484 = arith.index_cast %add3A_483 : i32 to index
        %get3A_485 = arith.constant 48 : index
        %get3A_486 = tpu.vector_load %arg7[%get3A_484, %get3A_485] {strides = array<i32>} : memref<128x128xf32, #tpu.memory_space<vmem>>, vector<1x16xf32>,
        %get3A_487 = vector.shape_cast %get3A_486 : vector<1x16xf32> to vector<16xf32>
        %add3A_488 = arith.addf %get3A_487, %get3A_479 : vector<16xf32>
        %mul3A_489 = arith.constant 8 : i32
        %mul3A_490 = arith.muli %scan3A_22, %mul3A_489 : i32
        %add3A_491 = arith.constant 1 : i32
        %add3A_492 = arith.addi %mul3A_490, %add3A_491 : i32
        %get3A_493 = arith.index_cast %add3A_492 : i32 to index
        %get3A_494 = arith.constant 48 : index
        %get3A_495 = tpu.vector_load %arg7[%get3A_493, %get3A_494] {strides = array<i32>} : memref<128x128xf32, #tpu.memory_space<vmem>>, vector<1x16xf32>,
        %get3A_496 = vector.shape_cast %get3A_495 : vector<1x16xf32> to vector<16xf32>
        %add3A_497 = arith.addf %get3A_496, %get3A_479 : vector<16xf32>
        %mul3A_498 = arith.constant 8 : i32
        %mul3A_499 = arith.muli %scan3A_22, %mul3A_498 : i32
        %add3A_500 = arith.constant 2 : i32
        %add3A_501 = arith.addi %mul3A_499, %add3A_500 : i32
        %get3A_502 = arith.index_cast %add3A_501 : i32 to index
        %get3A_503 = arith.constant 48 : index
        %get3A_504 = tpu.vector_load %arg7[%get3A_502, %get3A_503] {strides = array<i32>} : memref<128x128xf32, #tpu.memory_space<vmem>>, vector<1x16xf32>,
        %get3A_505 = vector.shape_cast %get3A_504 : vector<1x16xf32> to vector<16xf32>
        %add3A_506 = arith.addf %get3A_505, %get3A_479 : vector<16xf32>
        %mul3A_507 = arith.constant 8 : i32
        %mul3A_508 = arith.muli %scan3A_22, %mul3A_507 : i32
        %add3A_509 = arith.constant 3 : i32
        %add3A_510 = arith.addi %mul3A_508, %add3A_509 : i32
        %get3A_511 = arith.index_cast %add3A_510 : i32 to index
        %get3A_512 = arith.constant 48 : index
        %get3A_513 = tpu.vector_load %arg7[%get3A_511, %get3A_512] {strides = array<i32>} : memref<128x128xf32, #tpu.memory_space<vmem>>, vector<1x16xf32>,
        %get3A_514 = vector.shape_cast %get3A_513 : vector<1x16xf32> to vector<16xf32>
        %add3A_515 = arith.addf %get3A_514, %get3A_479 : vector<16xf32>
        %mul3A_516 = arith.constant 8 : i32
        %mul3A_517 = arith.muli %scan3A_22, %mul3A_516 : i32
        %add3A_518 = arith.constant 4 : i32
        %add3A_519 = arith.addi %mul3A_517, %add3A_518 : i32
        %get3A_520 = arith.index_cast %add3A_519 : i32 to index
        %get3A_521 = arith.constant 48 : index
        %get3A_522 = tpu.vector_load %arg7[%get3A_520, %get3A_521] {strides = array<i32>} : memref<128x128xf32, #tpu.memory_space<vmem>>, vector<1x16xf32>,
        %get3A_523 = vector.shape_cast %get3A_522 : vector<1x16xf32> to vector<16xf32>
        %add3A_524 = arith.addf %get3A_523, %get3A_479 : vector<16xf32>
        %mul3A_525 = arith.constant 8 : i32
        %mul3A_526 = arith.muli %scan3A_22, %mul3A_525 : i32
        %add3A_527 = arith.constant 5 : i32
        %add3A_528 = arith.addi %mul3A_526, %add3A_527 : i32
        %get3A_529 = arith.index_cast %add3A_528 : i32 to index
        %get3A_530 = arith.constant 48 : index
        %get3A_531 = tpu.vector_load %arg7[%get3A_529, %get3A_530] {strides = array<i32>} : memref<128x128xf32, #tpu.memory_space<vmem>>, vector<1x16xf32>,
        %get3A_532 = vector.shape_cast %get3A_531 : vector<1x16xf32> to vector<16xf32>
        %add3A_533 = arith.addf %get3A_532, %get3A_479 : vector<16xf32>
        %mul3A_534 = arith.constant 8 : i32
        %mul3A_535 = arith.muli %scan3A_22, %mul3A_534 : i32
        %add3A_536 = arith.constant 6 : i32
        %add3A_537 = arith.addi %mul3A_535, %add3A_536 : i32
        %get3A_538 = arith.index_cast %add3A_537 : i32 to index
        %get3A_539 = arith.constant 48 : index
        %get3A_540 = tpu.vector_load %arg7[%get3A_538, %get3A_539] {strides = array<i32>} : memref<128x128xf32, #tpu.memory_space<vmem>>, vector<1x16xf32>,
        %get3A_541 = vector.shape_cast %get3A_540 : vector<1x16xf32> to vector<16xf32>
        %add3A_542 = arith.addf %get3A_541, %get3A_479 : vector<16xf32>
        %mul3A_543 = arith.constant 8 : i32
        %mul3A_544 = arith.muli %scan3A_22, %mul3A_543 : i32
        %add3A_545 = arith.constant 7 : i32
        %add3A_546 = arith.addi %mul3A_544, %add3A_545 : i32
        %get3A_547 = arith.index_cast %add3A_546 : i32 to index
        %get3A_548 = arith.constant 48 : index
        %get3A_549 = tpu.vector_load %arg7[%get3A_547, %get3A_548] {strides = array<i32>} : memref<128x128xf32, #tpu.memory_space<vmem>>, vector<1x16xf32>,
        %get3A_550 = vector.shape_cast %get3A_549 : vector<1x16xf32> to vector<16xf32>
        %add3A_551 = arith.addf %get3A_550, %get3A_479 : vector<16xf32>
        %max3A_552 = arith.maximumf %add3A_488, %add3A_497 : vector<16xf32>
        %max3A_553 = arith.maximumf %add3A_506, %add3A_515 : vector<16xf32>
        %max3A_554 = arith.maximumf %add3A_524, %add3A_533 : vector<16xf32>
        %max3A_555 = arith.maximumf %add3A_542, %add3A_551 : vector<16xf32>
        %max3A_556 = arith.maximumf %max3A_552, %max3A_553 : vector<16xf32>
        %max3A_557 = arith.maximumf %max3A_554, %max3A_555 : vector<16xf32>
        %swap3A_558 = arith.index_cast %scan3A_22 : i32 to index
        %swap3A_559 = arith.constant 48 : index
        %swap3A_560 = tpu.vector_load %arg9[%swap3A_558, %swap3A_559] {strides = array<i32>} : memref<16x1792xf32, #tpu.memory_space<vmem>>, vector<1x16xf32>,
        %swap3A_561 = vector.shape_cast %swap3A_560 : vector<1x16xf32> to vector<16xf32>
        %swap3A_562 = vector.shape_cast %max3A_556 : vector<16xf32> to vector<1x16xf32>
        tpu.vector_store %arg9[%swap3A_558, %swap3A_559], %swap3A_562 {strides = array<i32>} : memref<16x1792xf32, #tpu.memory_space<vmem>>, vector<1x16xf32>,
        %swap3A_563 = arith.index_cast %scan3A_22 : i32 to index
        %swap3A_564 = arith.constant 176 : index
        %swap3A_565 = tpu.vector_load %arg9[%swap3A_563, %swap3A_564] {strides = array<i32>} : memref<16x1792xf32, #tpu.memory_space<vmem>>, vector<1x16xf32>,
        %swap3A_566 = vector.shape_cast %swap3A_565 : vector<1x16xf32> to vector<16xf32>
        %swap3A_567 = vector.shape_cast %max3A_557 : vector<16xf32> to vector<1x16xf32>
        tpu.vector_store %arg9[%swap3A_563, %swap3A_564], %swap3A_567 {strides = array<i32>} : memref<16x1792xf32, #tpu.memory_space<vmem>>, vector<1x16xf32>,
        %swap3A_568 = arith.index_cast %scan3A_22 : i32 to index
        %swap3A_569 = arith.constant 304 : index
        %swap3A_570 = tpu.vector_load %arg9[%swap3A_568, %swap3A_569] {strides = array<i32>} : memref<16x1792xf32, #tpu.memory_space<vmem>>, vector<1x16xf32>,
        %swap3A_571 = vector.shape_cast %swap3A_570 : vector<1x16xf32> to vector<16xf32>
        %swap3A_572 = vector.shape_cast %max3A_552 : vector<16xf32> to vector<1x16xf32>
        tpu.vector_store %arg9[%swap3A_568, %swap3A_569], %swap3A_572 {strides = array<i32>} : memref<16x1792xf32, #tpu.memory_space<vmem>>, vector<1x16xf32>,
        %swap3A_573 = arith.index_cast %scan3A_22 : i32 to index
        %swap3A_574 = arith.constant 432 : index
        %swap3A_575 = tpu.vector_load %arg9[%swap3A_573, %swap3A_574] {strides = array<i32>} : memref<16x1792xf32, #tpu.memory_space<vmem>>, vector<1x16xf32>,
        %swap3A_576 = vector.shape_cast %swap3A_575 : vector<1x16xf32> to vector<16xf32>
        %swap3A_577 = vector.shape_cast %max3A_553 : vector<16xf32> to vector<1x16xf32>
        tpu.vector_store %arg9[%swap3A_573, %swap3A_574], %swap3A_577 {strides = array<i32>} : memref<16x1792xf32, #tpu.memory_space<vmem>>, vector<1x16xf32>,
        %swap3A_578 = arith.index_cast %scan3A_22 : i32 to index
        %swap3A_579 = arith.constant 560 : index
        %swap3A_580 = tpu.vector_load %arg9[%swap3A_578, %swap3A_579] {strides = array<i32>} : memref<16x1792xf32, #tpu.memory_space<vmem>>, vector<1x16xf32>,
        %swap3A_581 = vector.shape_cast %swap3A_580 : vector<1x16xf32> to vector<16xf32>
        %swap3A_582 = vector.shape_cast %max3A_554 : vector<16xf32> to vector<1x16xf32>
        tpu.vector_store %arg9[%swap3A_578, %swap3A_579], %swap3A_582 {strides = array<i32>} : memref<16x1792xf32, #tpu.memory_space<vmem>>, vector<1x16xf32>,
        %swap3A_583 = arith.index_cast %scan3A_22 : i32 to index
        %swap3A_584 = arith.constant 688 : index
        %swap3A_585 = tpu.vector_load %arg9[%swap3A_583, %swap3A_584] {strides = array<i32>} : memref<16x1792xf32, #tpu.memory_space<vmem>>, vector<1x16xf32>,
        %swap3A_586 = vector.shape_cast %swap3A_585 : vector<1x16xf32> to vector<16xf32>
        %swap3A_587 = vector.shape_cast %max3A_555 : vector<16xf32> to vector<1x16xf32>
        tpu.vector_store %arg9[%swap3A_583, %swap3A_584], %swap3A_587 {strides = array<i32>} : memref<16x1792xf32, #tpu.memory_space<vmem>>, vector<1x16xf32>,
        %swap3A_588 = arith.index_cast %scan3A_22 : i32 to index
        %swap3A_589 = arith.constant 816 : index
        %swap3A_590 = tpu.vector_load %arg9[%swap3A_588, %swap3A_589] {strides = array<i32>} : memref<16x1792xf32, #tpu.memory_space<vmem>>, vector<1x16xf32>,
        %swap3A_591 = vector.shape_cast %swap3A_590 : vector<1x16xf32> to vector<16xf32>
        %swap3A_592 = vector.shape_cast %add3A_488 : vector<16xf32> to vector<1x16xf32>
        tpu.vector_store %arg9[%swap3A_588, %swap3A_589], %swap3A_592 {strides = array<i32>} : memref<16x1792xf32, #tpu.memory_space<vmem>>, vector<1x16xf32>,
        %swap3A_593 = arith.index_cast %scan3A_22 : i32 to index
        %swap3A_594 = arith.constant 944 : index
        %swap3A_595 = tpu.vector_load %arg9[%swap3A_593, %swap3A_594] {strides = array<i32>} : memref<16x1792xf32, #tpu.memory_space<vmem>>, vector<1x16xf32>,
        %swap3A_596 = vector.shape_cast %swap3A_595 : vector<1x16xf32> to vector<16xf32>
        %swap3A_597 = vector.shape_cast %add3A_497 : vector<16xf32> to vector<1x16xf32>
        tpu.vector_store %arg9[%swap3A_593, %swap3A_594], %swap3A_597 {strides = array<i32>} : memref<16x1792xf32, #tpu.memory_space<vmem>>, vector<1x16xf32>,
        %swap3A_598 = arith.index_cast %scan3A_22 : i32 to index
        %swap3A_599 = arith.constant 1072 : index
        %swap3A_600 = tpu.vector_load %arg9[%swap3A_598, %swap3A_599] {strides = array<i32>} : memref<16x1792xf32, #tpu.memory_space<vmem>>, vector<1x16xf32>,
        %swap3A_601 = vector.shape_cast %swap3A_600 : vector<1x16xf32> to vector<16xf32>
        %swap3A_602 = vector.shape_cast %add3A_506 : vector<16xf32> to vector<1x16xf32>
        tpu.vector_store %arg9[%swap3A_598, %swap3A_599], %swap3A_602 {strides = array<i32>} : memref<16x1792xf32, #tpu.memory_space<vmem>>, vector<1x16xf32>,
        %swap3A_603 = arith.index_cast %scan3A_22 : i32 to index
        %swap3A_604 = arith.constant 1200 : index
        %swap3A_605 = tpu.vector_load %arg9[%swap3A_603, %swap3A_604] {strides = array<i32>} : memref<16x1792xf32, #tpu.memory_space<vmem>>, vector<1x16xf32>,
        %swap3A_606 = vector.shape_cast %swap3A_605 : vector<1x16xf32> to vector<16xf32>
        %swap3A_607 = vector.shape_cast %add3A_515 : vector<16xf32> to vector<1x16xf32>
        tpu.vector_store %arg9[%swap3A_603, %swap3A_604], %swap3A_607 {strides = array<i32>} : memref<16x1792xf32, #tpu.memory_space<vmem>>, vector<1x16xf32>,
        %swap3A_608 = arith.index_cast %scan3A_22 : i32 to index
        %swap3A_609 = arith.constant 1328 : index
        %swap3A_610 = tpu.vector_load %arg9[%swap3A_608, %swap3A_609] {strides = array<i32>} : memref<16x1792xf32, #tpu.memory_space<vmem>>, vector<1x16xf32>,
        %swap3A_611 = vector.shape_cast %swap3A_610 : vector<1x16xf32> to vector<16xf32>
        %swap3A_612 = vector.shape_cast %add3A_524 : vector<16xf32> to vector<1x16xf32>
        tpu.vector_store %arg9[%swap3A_608, %swap3A_609], %swap3A_612 {strides = array<i32>} : memref<16x1792xf32, #tpu.memory_space<vmem>>, vector<1x16xf32>,
        %swap3A_613 = arith.index_cast %scan3A_22 : i32 to index
        %swap3A_614 = arith.constant 1456 : index
        %swap3A_615 = tpu.vector_load %arg9[%swap3A_613, %swap3A_614] {strides = array<i32>} : memref<16x1792xf32, #tpu.memory_space<vmem>>, vector<1x16xf32>,
        %swap3A_616 = vector.shape_cast %swap3A_615 : vector<1x16xf32> to vector<16xf32>
        %swap3A_617 = vector.shape_cast %add3A_533 : vector<16xf32> to vector<1x16xf32>
        tpu.vector_store %arg9[%swap3A_613, %swap3A_614], %swap3A_617 {strides = array<i32>} : memref<16x1792xf32, #tpu.memory_space<vmem>>, vector<1x16xf32>,
        %swap3A_618 = arith.index_cast %scan3A_22 : i32 to index
        %swap3A_619 = arith.constant 1584 : index
        %swap3A_620 = tpu.vector_load %arg9[%swap3A_618, %swap3A_619] {strides = array<i32>} : memref<16x1792xf32, #tpu.memory_space<vmem>>, vector<1x16xf32>,
        %swap3A_621 = vector.shape_cast %swap3A_620 : vector<1x16xf32> to vector<16xf32>
        %swap3A_622 = vector.shape_cast %add3A_542 : vector<16xf32> to vector<1x16xf32>
        tpu.vector_store %arg9[%swap3A_618, %swap3A_619], %swap3A_622 {strides = array<i32>} : memref<16x1792xf32, #tpu.memory_space<vmem>>, vector<1x16xf32>,
        %swap3A_623 = arith.index_cast %scan3A_22 : i32 to index
        %swap3A_624 = arith.constant 1712 : index
        %swap3A_625 = tpu.vector_load %arg9[%swap3A_623, %swap3A_624] {strides = array<i32>} : memref<16x1792xf32, #tpu.memory_space<vmem>>, vector<1x16xf32>,
        %swap3A_626 = vector.shape_cast %swap3A_625 : vector<1x16xf32> to vector<16xf32>
        %swap3A_627 = vector.shape_cast %add3A_551 : vector<16xf32> to vector<1x16xf32>
        tpu.vector_store %arg9[%swap3A_623, %swap3A_624], %swap3A_627 {strides = array<i32>} : memref<16x1792xf32, #tpu.memory_space<vmem>>, vector<1x16xf32>,
        %get3A_628 = arith.index_cast %scan3A_22 : i32 to index
        %get3A_629 = arith.constant 64 : index
        %get3A_630 = tpu.vector_load %arg8[%get3A_628, %get3A_629] {strides = array<i32>} : memref<16x128xf32, #tpu.memory_space<vmem>>, vector<1x16xf32>,
        %get3A_631 = vector.shape_cast %get3A_630 : vector<1x16xf32> to vector<16xf32>
        %mul3A_632 = arith.constant 8 : i32
        %mul3A_633 = arith.muli %scan3A_22, %mul3A_632 : i32
        %add3A_634 = arith.constant 0 : i32
        %add3A_635 = arith.addi %mul3A_633, %add3A_634 : i32
        %get3A_636 = arith.index_cast %add3A_635 : i32 to index
        %get3A_637 = arith.constant 64 : index
        %get3A_638 = tpu.vector_load %arg7[%get3A_636, %get3A_637] {strides = array<i32>} : memref<128x128xf32, #tpu.memory_space<vmem>>, vector<1x16xf32>,
        %get3A_639 = vector.shape_cast %get3A_638 : vector<1x16xf32> to vector<16xf32>
        %add3A_640 = arith.addf %get3A_639, %get3A_631 : vector<16xf32>
        %mul3A_641 = arith.constant 8 : i32
        %mul3A_642 = arith.muli %scan3A_22, %mul3A_641 : i32
        %add3A_643 = arith.constant 1 : i32
        %add3A_644 = arith.addi %mul3A_642, %add3A_643 : i32
        %get3A_645 = arith.index_cast %add3A_644 : i32 to index
        %get3A_646 = arith.constant 64 : index
        %get3A_647 = tpu.vector_load %arg7[%get3A_645, %get3A_646] {strides = array<i32>} : memref<128x128xf32, #tpu.memory_space<vmem>>, vector<1x16xf32>,
        %get3A_648 = vector.shape_cast %get3A_647 : vector<1x16xf32> to vector<16xf32>
        %add3A_649 = arith.addf %get3A_648, %get3A_631 : vector<16xf32>
        %mul3A_650 = arith.constant 8 : i32
        %mul3A_651 = arith.muli %scan3A_22, %mul3A_650 : i32
        %add3A_652 = arith.constant 2 : i32
        %add3A_653 = arith.addi %mul3A_651, %add3A_652 : i32
        %get3A_654 = arith.index_cast %add3A_653 : i32 to index
        %get3A_655 = arith.constant 64 : index
        %get3A_656 = tpu.vector_load %arg7[%get3A_654, %get3A_655] {strides = array<i32>} : memref<128x128xf32, #tpu.memory_space<vmem>>, vector<1x16xf32>,
        %get3A_657 = vector.shape_cast %get3A_656 : vector<1x16xf32> to vector<16xf32>
        %add3A_658 = arith.addf %get3A_657, %get3A_631 : vector<16xf32>
        %mul3A_659 = arith.constant 8 : i32
        %mul3A_660 = arith.muli %scan3A_22, %mul3A_659 : i32
        %add3A_661 = arith.constant 3 : i32
        %add3A_662 = arith.addi %mul3A_660, %add3A_661 : i32
        %get3A_663 = arith.index_cast %add3A_662 : i32 to index
        %get3A_664 = arith.constant 64 : index
        %get3A_665 = tpu.vector_load %arg7[%get3A_663, %get3A_664] {strides = array<i32>} : memref<128x128xf32, #tpu.memory_space<vmem>>, vector<1x16xf32>,
        %get3A_666 = vector.shape_cast %get3A_665 : vector<1x16xf32> to vector<16xf32>
        %add3A_667 = arith.addf %get3A_666, %get3A_631 : vector<16xf32>
        %mul3A_668 = arith.constant 8 : i32
        %mul3A_669 = arith.muli %scan3A_22, %mul3A_668 : i32
        %add3A_670 = arith.constant 4 : i32
        %add3A_671 = arith.addi %mul3A_669, %add3A_670 : i32
        %get3A_672 = arith.index_cast %add3A_671 : i32 to index
        %get3A_673 = arith.constant 64 : index
        %get3A_674 = tpu.vector_load %arg7[%get3A_672, %get3A_673] {strides = array<i32>} : memref<128x128xf32, #tpu.memory_space<vmem>>, vector<1x16xf32>,
        %get3A_675 = vector.shape_cast %get3A_674 : vector<1x16xf32> to vector<16xf32>
        %add3A_676 = arith.addf %get3A_675, %get3A_631 : vector<16xf32>
        %mul3A_677 = arith.constant 8 : i32
        %mul3A_678 = arith.muli %scan3A_22, %mul3A_677 : i32
        %add3A_679 = arith.constant 5 : i32
        %add3A_680 = arith.addi %mul3A_678, %add3A_679 : i32
        %get3A_681 = arith.index_cast %add3A_680 : i32 to index
        %get3A_682 = arith.constant 64 : index
        %get3A_683 = tpu.vector_load %arg7[%get3A_681, %get3A_682] {strides = array<i32>} : memref<128x128xf32, #tpu.memory_space<vmem>>, vector<1x16xf32>,
        %get3A_684 = vector.shape_cast %get3A_683 : vector<1x16xf32> to vector<16xf32>
        %add3A_685 = arith.addf %get3A_684, %get3A_631 : vector<16xf32>
        %mul3A_686 = arith.constant 8 : i32
        %mul3A_687 = arith.muli %scan3A_22, %mul3A_686 : i32
        %add3A_688 = arith.constant 6 : i32
        %add3A_689 = arith.addi %mul3A_687, %add3A_688 : i32
        %get3A_690 = arith.index_cast %add3A_689 : i32 to index
        %get3A_691 = arith.constant 64 : index
        %get3A_692 = tpu.vector_load %arg7[%get3A_690, %get3A_691] {strides = array<i32>} : memref<128x128xf32, #tpu.memory_space<vmem>>, vector<1x16xf32>,
        %get3A_693 = vector.shape_cast %get3A_692 : vector<1x16xf32> to vector<16xf32>
        %add3A_694 = arith.addf %get3A_693, %get3A_631 : vector<16xf32>
        %mul3A_695 = arith.constant 8 : i32
        %mul3A_696 = arith.muli %scan3A_22, %mul3A_695 : i32
        %add3A_697 = arith.constant 7 : i32
        %add3A_698 = arith.addi %mul3A_696, %add3A_697 : i32
        %get3A_699 = arith.index_cast %add3A_698 : i32 to index
        %get3A_700 = arith.constant 64 : index
        %get3A_701 = tpu.vector_load %arg7[%get3A_699, %get3A_700] {strides = array<i32>} : memref<128x128xf32, #tpu.memory_space<vmem>>, vector<1x16xf32>,
        %get3A_702 = vector.shape_cast %get3A_701 : vector<1x16xf32> to vector<16xf32>
        %add3A_703 = arith.addf %get3A_702, %get3A_631 : vector<16xf32>
        %max3A_704 = arith.maximumf %add3A_640, %add3A_649 : vector<16xf32>
        %max3A_705 = arith.maximumf %add3A_658, %add3A_667 : vector<16xf32>
        %max3A_706 = arith.maximumf %add3A_676, %add3A_685 : vector<16xf32>
        %max3A_707 = arith.maximumf %add3A_694, %add3A_703 : vector<16xf32>
        %max3A_708 = arith.maximumf %max3A_704, %max3A_705 : vector<16xf32>
        %max3A_709 = arith.maximumf %max3A_706, %max3A_707 : vector<16xf32>
        %swap3A_710 = arith.index_cast %scan3A_22 : i32 to index
        %swap3A_711 = arith.constant 64 : index
        %swap3A_712 = tpu.vector_load %arg9[%swap3A_710, %swap3A_711] {strides = array<i32>} : memref<16x1792xf32, #tpu.memory_space<vmem>>, vector<1x16xf32>,
        %swap3A_713 = vector.shape_cast %swap3A_712 : vector<1x16xf32> to vector<16xf32>
        %swap3A_714 = vector.shape_cast %max3A_708 : vector<16xf32> to vector<1x16xf32>
        tpu.vector_store %arg9[%swap3A_710, %swap3A_711], %swap3A_714 {strides = array<i32>} : memref<16x1792xf32, #tpu.memory_space<vmem>>, vector<1x16xf32>,
        %swap3A_715 = arith.index_cast %scan3A_22 : i32 to index
        %swap3A_716 = arith.constant 192 : index
        %swap3A_717 = tpu.vector_load %arg9[%swap3A_715, %swap3A_716] {strides = array<i32>} : memref<16x1792xf32, #tpu.memory_space<vmem>>, vector<1x16xf32>,
        %swap3A_718 = vector.shape_cast %swap3A_717 : vector<1x16xf32> to vector<16xf32>
        %swap3A_719 = vector.shape_cast %max3A_709 : vector<16xf32> to vector<1x16xf32>
        tpu.vector_store %arg9[%swap3A_715, %swap3A_716], %swap3A_719 {strides = array<i32>} : memref<16x1792xf32, #tpu.memory_space<vmem>>, vector<1x16xf32>,
        %swap3A_720 = arith.index_cast %scan3A_22 : i32 to index
        %swap3A_721 = arith.constant 320 : index
        %swap3A_722 = tpu.vector_load %arg9[%swap3A_720, %swap3A_721] {strides = array<i32>} : memref<16x1792xf32, #tpu.memory_space<vmem>>, vector<1x16xf32>,
        %swap3A_723 = vector.shape_cast %swap3A_722 : vector<1x16xf32> to vector<16xf32>
        %swap3A_724 = vector.shape_cast %max3A_704 : vector<16xf32> to vector<1x16xf32>
        tpu.vector_store %arg9[%swap3A_720, %swap3A_721], %swap3A_724 {strides = array<i32>} : memref<16x1792xf32, #tpu.memory_space<vmem>>, vector<1x16xf32>,
        %swap3A_725 = arith.index_cast %scan3A_22 : i32 to index
        %swap3A_726 = arith.constant 448 : index
        %swap3A_727 = tpu.vector_load %arg9[%swap3A_725, %swap3A_726] {strides = array<i32>} : memref<16x1792xf32, #tpu.memory_space<vmem>>, vector<1x16xf32>,
        %swap3A_728 = vector.shape_cast %swap3A_727 : vector<1x16xf32> to vector<16xf32>
        %swap3A_729 = vector.shape_cast %max3A_705 : vector<16xf32> to vector<1x16xf32>
        tpu.vector_store %arg9[%swap3A_725, %swap3A_726], %swap3A_729 {strides = array<i32>} : memref<16x1792xf32, #tpu.memory_space<vmem>>, vector<1x16xf32>,
        %swap3A_730 = arith.index_cast %scan3A_22 : i32 to index
        %swap3A_731 = arith.constant 576 : index
        %swap3A_732 = tpu.vector_load %arg9[%swap3A_730, %swap3A_731] {strides = array<i32>} : memref<16x1792xf32, #tpu.memory_space<vmem>>, vector<1x16xf32>,
        %swap3A_733 = vector.shape_cast %swap3A_732 : vector<1x16xf32> to vector<16xf32>
        %swap3A_734 = vector.shape_cast %max3A_706 : vector<16xf32> to vector<1x16xf32>
        tpu.vector_store %arg9[%swap3A_730, %swap3A_731], %swap3A_734 {strides = array<i32>} : memref<16x1792xf32, #tpu.memory_space<vmem>>, vector<1x16xf32>,
        %swap3A_735 = arith.index_cast %scan3A_22 : i32 to index
        %swap3A_736 = arith.constant 704 : index
        %swap3A_737 = tpu.vector_load %arg9[%swap3A_735, %swap3A_736] {strides = array<i32>} : memref<16x1792xf32, #tpu.memory_space<vmem>>, vector<1x16xf32>,
        %swap3A_738 = vector.shape_cast %swap3A_737 : vector<1x16xf32> to vector<16xf32>
        %swap3A_739 = vector.shape_cast %max3A_707 : vector<16xf32> to vector<1x16xf32>
        tpu.vector_store %arg9[%swap3A_735, %swap3A_736], %swap3A_739 {strides = array<i32>} : memref<16x1792xf32, #tpu.memory_space<vmem>>, vector<1x16xf32>,
        %swap3A_740 = arith.index_cast %scan3A_22 : i32 to index
        %swap3A_741 = arith.constant 832 : index
        %swap3A_742 = tpu.vector_load %arg9[%swap3A_740, %swap3A_741] {strides = array<i32>} : memref<16x1792xf32, #tpu.memory_space<vmem>>, vector<1x16xf32>,
        %swap3A_743 = vector.shape_cast %swap3A_742 : vector<1x16xf32> to vector<16xf32>
        %swap3A_744 = vector.shape_cast %add3A_640 : vector<16xf32> to vector<1x16xf32>
        tpu.vector_store %arg9[%swap3A_740, %swap3A_741], %swap3A_744 {strides = array<i32>} : memref<16x1792xf32, #tpu.memory_space<vmem>>, vector<1x16xf32>,
        %swap3A_745 = arith.index_cast %scan3A_22 : i32 to index
        %swap3A_746 = arith.constant 960 : index
        %swap3A_747 = tpu.vector_load %arg9[%swap3A_745, %swap3A_746] {strides = array<i32>} : memref<16x1792xf32, #tpu.memory_space<vmem>>, vector<1x16xf32>,
        %swap3A_748 = vector.shape_cast %swap3A_747 : vector<1x16xf32> to vector<16xf32>
        %swap3A_749 = vector.shape_cast %add3A_649 : vector<16xf32> to vector<1x16xf32>
        tpu.vector_store %arg9[%swap3A_745, %swap3A_746], %swap3A_749 {strides = array<i32>} : memref<16x1792xf32, #tpu.memory_space<vmem>>, vector<1x16xf32>,
        %swap3A_750 = arith.index_cast %scan3A_22 : i32 to index
        %swap3A_751 = arith.constant 1088 : index
        %swap3A_752 = tpu.vector_load %arg9[%swap3A_750, %swap3A_751] {strides = array<i32>} : memref<16x1792xf32, #tpu.memory_space<vmem>>, vector<1x16xf32>,
        %swap3A_753 = vector.shape_cast %swap3A_752 : vector<1x16xf32> to vector<16xf32>
        %swap3A_754 = vector.shape_cast %add3A_658 : vector<16xf32> to vector<1x16xf32>
        tpu.vector_store %arg9[%swap3A_750, %swap3A_751], %swap3A_754 {strides = array<i32>} : memref<16x1792xf32, #tpu.memory_space<vmem>>, vector<1x16xf32>,
        %swap3A_755 = arith.index_cast %scan3A_22 : i32 to index
        %swap3A_756 = arith.constant 1216 : index
        %swap3A_757 = tpu.vector_load %arg9[%swap3A_755, %swap3A_756] {strides = array<i32>} : memref<16x1792xf32, #tpu.memory_space<vmem>>, vector<1x16xf32>,
        %swap3A_758 = vector.shape_cast %swap3A_757 : vector<1x16xf32> to vector<16xf32>
        %swap3A_759 = vector.shape_cast %add3A_667 : vector<16xf32> to vector<1x16xf32>
        tpu.vector_store %arg9[%swap3A_755, %swap3A_756], %swap3A_759 {strides = array<i32>} : memref<16x1792xf32, #tpu.memory_space<vmem>>, vector<1x16xf32>,
        %swap3A_760 = arith.index_cast %scan3A_22 : i32 to index
        %swap3A_761 = arith.constant 1344 : index
        %swap3A_762 = tpu.vector_load %arg9[%swap3A_760, %swap3A_761] {strides = array<i32>} : memref<16x1792xf32, #tpu.memory_space<vmem>>, vector<1x16xf32>,
        %swap3A_763 = vector.shape_cast %swap3A_762 : vector<1x16xf32> to vector<16xf32>
        %swap3A_764 = vector.shape_cast %add3A_676 : vector<16xf32> to vector<1x16xf32>
        tpu.vector_store %arg9[%swap3A_760, %swap3A_761], %swap3A_764 {strides = array<i32>} : memref<16x1792xf32, #tpu.memory_space<vmem>>, vector<1x16xf32>,
        %swap3A_765 = arith.index_cast %scan3A_22 : i32 to index
        %swap3A_766 = arith.constant 1472 : index
        %swap3A_767 = tpu.vector_load %arg9[%swap3A_765, %swap3A_766] {strides = array<i32>} : memref<16x1792xf32, #tpu.memory_space<vmem>>, vector<1x16xf32>,
        %swap3A_768 = vector.shape_cast %swap3A_767 : vector<1x16xf32> to vector<16xf32>
        %swap3A_769 = vector.shape_cast %add3A_685 : vector<16xf32> to vector<1x16xf32>
        tpu.vector_store %arg9[%swap3A_765, %swap3A_766], %swap3A_769 {strides = array<i32>} : memref<16x1792xf32, #tpu.memory_space<vmem>>, vector<1x16xf32>,
        %swap3A_770 = arith.index_cast %scan3A_22 : i32 to index
        %swap3A_771 = arith.constant 1600 : index
        %swap3A_772 = tpu.vector_load %arg9[%swap3A_770, %swap3A_771] {strides = array<i32>} : memref<16x1792xf32, #tpu.memory_space<vmem>>, vector<1x16xf32>,
        %swap3A_773 = vector.shape_cast %swap3A_772 : vector<1x16xf32> to vector<16xf32>
        %swap3A_774 = vector.shape_cast %add3A_694 : vector<16xf32> to vector<1x16xf32>
        tpu.vector_store %arg9[%swap3A_770, %swap3A_771], %swap3A_774 {strides = array<i32>} : memref<16x1792xf32, #tpu.memory_space<vmem>>, vector<1x16xf32>,
        %swap3A_775 = arith.index_cast %scan3A_22 : i32 to index
        %swap3A_776 = arith.constant 1728 : index
        %swap3A_777 = tpu.vector_load %arg9[%swap3A_775, %swap3A_776] {strides = array<i32>} : memref<16x1792xf32, #tpu.memory_space<vmem>>, vector<1x16xf32>,
        %swap3A_778 = vector.shape_cast %swap3A_777 : vector<1x16xf32> to vector<16xf32>
        %swap3A_779 = vector.shape_cast %add3A_703 : vector<16xf32> to vector<1x16xf32>
        tpu.vector_store %arg9[%swap3A_775, %swap3A_776], %swap3A_779 {strides = array<i32>} : memref<16x1792xf32, #tpu.memory_space<vmem>>, vector<1x16xf32>,
        %get3A_780 = arith.index_cast %scan3A_22 : i32 to index
        %get3A_781 = arith.constant 80 : index
        %get3A_782 = tpu.vector_load %arg8[%get3A_780, %get3A_781] {strides = array<i32>} : memref<16x128xf32, #tpu.memory_space<vmem>>, vector<1x16xf32>,
        %get3A_783 = vector.shape_cast %get3A_782 : vector<1x16xf32> to vector<16xf32>
        %mul3A_784 = arith.constant 8 : i32
        %mul3A_785 = arith.muli %scan3A_22, %mul3A_784 : i32
        %add3A_786 = arith.constant 0 : i32
        %add3A_787 = arith.addi %mul3A_785, %add3A_786 : i32
        %get3A_788 = arith.index_cast %add3A_787 : i32 to index
        %get3A_789 = arith.constant 80 : index
        %get3A_790 = tpu.vector_load %arg7[%get3A_788, %get3A_789] {strides = array<i32>} : memref<128x128xf32, #tpu.memory_space<vmem>>, vector<1x16xf32>,
        %get3A_791 = vector.shape_cast %get3A_790 : vector<1x16xf32> to vector<16xf32>
        %add3A_792 = arith.addf %get3A_791, %get3A_783 : vector<16xf32>
        %mul3A_793 = arith.constant 8 : i32
        %mul3A_794 = arith.muli %scan3A_22, %mul3A_793 : i32
        %add3A_795 = arith.constant 1 : i32
        %add3A_796 = arith.addi %mul3A_794, %add3A_795 : i32
        %get3A_797 = arith.index_cast %add3A_796 : i32 to index
        %get3A_798 = arith.constant 80 : index
        %get3A_799 = tpu.vector_load %arg7[%get3A_797, %get3A_798] {strides = array<i32>} : memref<128x128xf32, #tpu.memory_space<vmem>>, vector<1x16xf32>,
        %get3A_800 = vector.shape_cast %get3A_799 : vector<1x16xf32> to vector<16xf32>
        %add3A_801 = arith.addf %get3A_800, %get3A_783 : vector<16xf32>
        %mul3A_802 = arith.constant 8 : i32
        %mul3A_803 = arith.muli %scan3A_22, %mul3A_802 : i32
        %add3A_804 = arith.constant 2 : i32
        %add3A_805 = arith.addi %mul3A_803, %add3A_804 : i32
        %get3A_806 = arith.index_cast %add3A_805 : i32 to index
        %get3A_807 = arith.constant 80 : index
        %get3A_808 = tpu.vector_load %arg7[%get3A_806, %get3A_807] {strides = array<i32>} : memref<128x128xf32, #tpu.memory_space<vmem>>, vector<1x16xf32>,
        %get3A_809 = vector.shape_cast %get3A_808 : vector<1x16xf32> to vector<16xf32>
        %add3A_810 = arith.addf %get3A_809, %get3A_783 : vector<16xf32>
        %mul3A_811 = arith.constant 8 : i32
        %mul3A_812 = arith.muli %scan3A_22, %mul3A_811 : i32
        %add3A_813 = arith.constant 3 : i32
        %add3A_814 = arith.addi %mul3A_812, %add3A_813 : i32
        %get3A_815 = arith.index_cast %add3A_814 : i32 to index
        %get3A_816 = arith.constant 80 : index
        %get3A_817 = tpu.vector_load %arg7[%get3A_815, %get3A_816] {strides = array<i32>} : memref<128x128xf32, #tpu.memory_space<vmem>>, vector<1x16xf32>,
        %get3A_818 = vector.shape_cast %get3A_817 : vector<1x16xf32> to vector<16xf32>
        %add3A_819 = arith.addf %get3A_818, %get3A_783 : vector<16xf32>
        %mul3A_820 = arith.constant 8 : i32
        %mul3A_821 = arith.muli %scan3A_22, %mul3A_820 : i32
        %add3A_822 = arith.constant 4 : i32
        %add3A_823 = arith.addi %mul3A_821, %add3A_822 : i32
        %get3A_824 = arith.index_cast %add3A_823 : i32 to index
        %get3A_825 = arith.constant 80 : index
        %get3A_826 = tpu.vector_load %arg7[%get3A_824, %get3A_825] {strides = array<i32>} : memref<128x128xf32, #tpu.memory_space<vmem>>, vector<1x16xf32>,
        %get3A_827 = vector.shape_cast %get3A_826 : vector<1x16xf32> to vector<16xf32>
        %add3A_828 = arith.addf %get3A_827, %get3A_783 : vector<16xf32>
        %mul3A_829 = arith.constant 8 : i32
        %mul3A_830 = arith.muli %scan3A_22, %mul3A_829 : i32
        %add3A_831 = arith.constant 5 : i32
        %add3A_832 = arith.addi %mul3A_830, %add3A_831 : i32
        %get3A_833 = arith.index_cast %add3A_832 : i32 to index
        %get3A_834 = arith.constant 80 : index
        %get3A_835 = tpu.vector_load %arg7[%get3A_833, %get3A_834] {strides = array<i32>} : memref<128x128xf32, #tpu.memory_space<vmem>>, vector<1x16xf32>,
        %get3A_836 = vector.shape_cast %get3A_835 : vector<1x16xf32> to vector<16xf32>
        %add3A_837 = arith.addf %get3A_836, %get3A_783 : vector<16xf32>
        %mul3A_838 = arith.constant 8 : i32
        %mul3A_839 = arith.muli %scan3A_22, %mul3A_838 : i32
        %add3A_840 = arith.constant 6 : i32
        %add3A_841 = arith.addi %mul3A_839, %add3A_840 : i32
        %get3A_842 = arith.index_cast %add3A_841 : i32 to index
        %get3A_843 = arith.constant 80 : index
        %get3A_844 = tpu.vector_load %arg7[%get3A_842, %get3A_843] {strides = array<i32>} : memref<128x128xf32, #tpu.memory_space<vmem>>, vector<1x16xf32>,
        %get3A_845 = vector.shape_cast %get3A_844 : vector<1x16xf32> to vector<16xf32>
        %add3A_846 = arith.addf %get3A_845, %get3A_783 : vector<16xf32>
        %mul3A_847 = arith.constant 8 : i32
        %mul3A_848 = arith.muli %scan3A_22, %mul3A_847 : i32
        %add3A_849 = arith.constant 7 : i32
        %add3A_850 = arith.addi %mul3A_848, %add3A_849 : i32
        %get3A_851 = arith.index_cast %add3A_850 : i32 to index
        %get3A_852 = arith.constant 80 : index
        %get3A_853 = tpu.vector_load %arg7[%get3A_851, %get3A_852] {strides = array<i32>} : memref<128x128xf32, #tpu.memory_space<vmem>>, vector<1x16xf32>,
        %get3A_854 = vector.shape_cast %get3A_853 : vector<1x16xf32> to vector<16xf32>
        %add3A_855 = arith.addf %get3A_854, %get3A_783 : vector<16xf32>
        %max3A_856 = arith.maximumf %add3A_792, %add3A_801 : vector<16xf32>
        %max3A_857 = arith.maximumf %add3A_810, %add3A_819 : vector<16xf32>
        %max3A_858 = arith.maximumf %add3A_828, %add3A_837 : vector<16xf32>
        %max3A_859 = arith.maximumf %add3A_846, %add3A_855 : vector<16xf32>
        %max3A_860 = arith.maximumf %max3A_856, %max3A_857 : vector<16xf32>
        %max3A_861 = arith.maximumf %max3A_858, %max3A_859 : vector<16xf32>
        %swap3A_862 = arith.index_cast %scan3A_22 : i32 to index
        %swap3A_863 = arith.constant 80 : index
        %swap3A_864 = tpu.vector_load %arg9[%swap3A_862, %swap3A_863] {strides = array<i32>} : memref<16x1792xf32, #tpu.memory_space<vmem>>, vector<1x16xf32>,
        %swap3A_865 = vector.shape_cast %swap3A_864 : vector<1x16xf32> to vector<16xf32>
        %swap3A_866 = vector.shape_cast %max3A_860 : vector<16xf32> to vector<1x16xf32>
        tpu.vector_store %arg9[%swap3A_862, %swap3A_863], %swap3A_866 {strides = array<i32>} : memref<16x1792xf32, #tpu.memory_space<vmem>>, vector<1x16xf32>,
        %swap3A_867 = arith.index_cast %scan3A_22 : i32 to index
        %swap3A_868 = arith.constant 208 : index
        %swap3A_869 = tpu.vector_load %arg9[%swap3A_867, %swap3A_868] {strides = array<i32>} : memref<16x1792xf32, #tpu.memory_space<vmem>>, vector<1x16xf32>,
        %swap3A_870 = vector.shape_cast %swap3A_869 : vector<1x16xf32> to vector<16xf32>
        %swap3A_871 = vector.shape_cast %max3A_861 : vector<16xf32> to vector<1x16xf32>
        tpu.vector_store %arg9[%swap3A_867, %swap3A_868], %swap3A_871 {strides = array<i32>} : memref<16x1792xf32, #tpu.memory_space<vmem>>, vector<1x16xf32>,
        %swap3A_872 = arith.index_cast %scan3A_22 : i32 to index
        %swap3A_873 = arith.constant 336 : index
        %swap3A_874 = tpu.vector_load %arg9[%swap3A_872, %swap3A_873] {strides = array<i32>} : memref<16x1792xf32, #tpu.memory_space<vmem>>, vector<1x16xf32>,
        %swap3A_875 = vector.shape_cast %swap3A_874 : vector<1x16xf32> to vector<16xf32>
        %swap3A_876 = vector.shape_cast %max3A_856 : vector<16xf32> to vector<1x16xf32>
        tpu.vector_store %arg9[%swap3A_872, %swap3A_873], %swap3A_876 {strides = array<i32>} : memref<16x1792xf32, #tpu.memory_space<vmem>>, vector<1x16xf32>,
        %swap3A_877 = arith.index_cast %scan3A_22 : i32 to index
        %swap3A_878 = arith.constant 464 : index
        %swap3A_879 = tpu.vector_load %arg9[%swap3A_877, %swap3A_878] {strides = array<i32>} : memref<16x1792xf32, #tpu.memory_space<vmem>>, vector<1x16xf32>,
        %swap3A_880 = vector.shape_cast %swap3A_879 : vector<1x16xf32> to vector<16xf32>
        %swap3A_881 = vector.shape_cast %max3A_857 : vector<16xf32> to vector<1x16xf32>
        tpu.vector_store %arg9[%swap3A_877, %swap3A_878], %swap3A_881 {strides = array<i32>} : memref<16x1792xf32, #tpu.memory_space<vmem>>, vector<1x16xf32>,
        %swap3A_882 = arith.index_cast %scan3A_22 : i32 to index
        %swap3A_883 = arith.constant 592 : index
        %swap3A_884 = tpu.vector_load %arg9[%swap3A_882, %swap3A_883] {strides = array<i32>} : memref<16x1792xf32, #tpu.memory_space<vmem>>, vector<1x16xf32>,
        %swap3A_885 = vector.shape_cast %swap3A_884 : vector<1x16xf32> to vector<16xf32>
        %swap3A_886 = vector.shape_cast %max3A_858 : vector<16xf32> to vector<1x16xf32>
        tpu.vector_store %arg9[%swap3A_882, %swap3A_883], %swap3A_886 {strides = array<i32>} : memref<16x1792xf32, #tpu.memory_space<vmem>>, vector<1x16xf32>,
        %swap3A_887 = arith.index_cast %scan3A_22 : i32 to index
        %swap3A_888 = arith.constant 720 : index
        %swap3A_889 = tpu.vector_load %arg9[%swap3A_887, %swap3A_888] {strides = array<i32>} : memref<16x1792xf32, #tpu.memory_space<vmem>>, vector<1x16xf32>,
        %swap3A_890 = vector.shape_cast %swap3A_889 : vector<1x16xf32> to vector<16xf32>
        %swap3A_891 = vector.shape_cast %max3A_859 : vector<16xf32> to vector<1x16xf32>
        tpu.vector_store %arg9[%swap3A_887, %swap3A_888], %swap3A_891 {strides = array<i32>} : memref<16x1792xf32, #tpu.memory_space<vmem>>, vector<1x16xf32>,
        %swap3A_892 = arith.index_cast %scan3A_22 : i32 to index
        %swap3A_893 = arith.constant 848 : index
        %swap3A_894 = tpu.vector_load %arg9[%swap3A_892, %swap3A_893] {strides = array<i32>} : memref<16x1792xf32, #tpu.memory_space<vmem>>, vector<1x16xf32>,
        %swap3A_895 = vector.shape_cast %swap3A_894 : vector<1x16xf32> to vector<16xf32>
        %swap3A_896 = vector.shape_cast %add3A_792 : vector<16xf32> to vector<1x16xf32>
        tpu.vector_store %arg9[%swap3A_892, %swap3A_893], %swap3A_896 {strides = array<i32>} : memref<16x1792xf32, #tpu.memory_space<vmem>>, vector<1x16xf32>,
        %swap3A_897 = arith.index_cast %scan3A_22 : i32 to index
        %swap3A_898 = arith.constant 976 : index
        %swap3A_899 = tpu.vector_load %arg9[%swap3A_897, %swap3A_898] {strides = array<i32>} : memref<16x1792xf32, #tpu.memory_space<vmem>>, vector<1x16xf32>,
        %swap3A_900 = vector.shape_cast %swap3A_899 : vector<1x16xf32> to vector<16xf32>
        %swap3A_901 = vector.shape_cast %add3A_801 : vector<16xf32> to vector<1x16xf32>
        tpu.vector_store %arg9[%swap3A_897, %swap3A_898], %swap3A_901 {strides = array<i32>} : memref<16x1792xf32, #tpu.memory_space<vmem>>, vector<1x16xf32>,
        %swap3A_902 = arith.index_cast %scan3A_22 : i32 to index
        %swap3A_903 = arith.constant 1104 : index
        %swap3A_904 = tpu.vector_load %arg9[%swap3A_902, %swap3A_903] {strides = array<i32>} : memref<16x1792xf32, #tpu.memory_space<vmem>>, vector<1x16xf32>,
        %swap3A_905 = vector.shape_cast %swap3A_904 : vector<1x16xf32> to vector<16xf32>
        %swap3A_906 = vector.shape_cast %add3A_810 : vector<16xf32> to vector<1x16xf32>
        tpu.vector_store %arg9[%swap3A_902, %swap3A_903], %swap3A_906 {strides = array<i32>} : memref<16x1792xf32, #tpu.memory_space<vmem>>, vector<1x16xf32>,
        %swap3A_907 = arith.index_cast %scan3A_22 : i32 to index
        %swap3A_908 = arith.constant 1232 : index
        %swap3A_909 = tpu.vector_load %arg9[%swap3A_907, %swap3A_908] {strides = array<i32>} : memref<16x1792xf32, #tpu.memory_space<vmem>>, vector<1x16xf32>,
        %swap3A_910 = vector.shape_cast %swap3A_909 : vector<1x16xf32> to vector<16xf32>
        %swap3A_911 = vector.shape_cast %add3A_819 : vector<16xf32> to vector<1x16xf32>
        tpu.vector_store %arg9[%swap3A_907, %swap3A_908], %swap3A_911 {strides = array<i32>} : memref<16x1792xf32, #tpu.memory_space<vmem>>, vector<1x16xf32>,
        %swap3A_912 = arith.index_cast %scan3A_22 : i32 to index
        %swap3A_913 = arith.constant 1360 : index
        %swap3A_914 = tpu.vector_load %arg9[%swap3A_912, %swap3A_913] {strides = array<i32>} : memref<16x1792xf32, #tpu.memory_space<vmem>>, vector<1x16xf32>,
        %swap3A_915 = vector.shape_cast %swap3A_914 : vector<1x16xf32> to vector<16xf32>
        %swap3A_916 = vector.shape_cast %add3A_828 : vector<16xf32> to vector<1x16xf32>
        tpu.vector_store %arg9[%swap3A_912, %swap3A_913], %swap3A_916 {strides = array<i32>} : memref<16x1792xf32, #tpu.memory_space<vmem>>, vector<1x16xf32>,
        %swap3A_917 = arith.index_cast %scan3A_22 : i32 to index
        %swap3A_918 = arith.constant 1488 : index
        %swap3A_919 = tpu.vector_load %arg9[%swap3A_917, %swap3A_918] {strides = array<i32>} : memref<16x1792xf32, #tpu.memory_space<vmem>>, vector<1x16xf32>,
        %swap3A_920 = vector.shape_cast %swap3A_919 : vector<1x16xf32> to vector<16xf32>
        %swap3A_921 = vector.shape_cast %add3A_837 : vector<16xf32> to vector<1x16xf32>
        tpu.vector_store %arg9[%swap3A_917, %swap3A_918], %swap3A_921 {strides = array<i32>} : memref<16x1792xf32, #tpu.memory_space<vmem>>, vector<1x16xf32>,
        %swap3A_922 = arith.index_cast %scan3A_22 : i32 to index
        %swap3A_923 = arith.constant 1616 : index
        %swap3A_924 = tpu.vector_load %arg9[%swap3A_922, %swap3A_923] {strides = array<i32>} : memref<16x1792xf32, #tpu.memory_space<vmem>>, vector<1x16xf32>,
        %swap3A_925 = vector.shape_cast %swap3A_924 : vector<1x16xf32> to vector<16xf32>
        %swap3A_926 = vector.shape_cast %add3A_846 : vector<16xf32> to vector<1x16xf32>
        tpu.vector_store %arg9[%swap3A_922, %swap3A_923], %swap3A_926 {strides = array<i32>} : memref<16x1792xf32, #tpu.memory_space<vmem>>, vector<1x16xf32>,
        %swap3A_927 = arith.index_cast %scan3A_22 : i32 to index
        %swap3A_928 = arith.constant 1744 : index
        %swap3A_929 = tpu.vector_load %arg9[%swap3A_927, %swap3A_928] {strides = array<i32>} : memref<16x1792xf32, #tpu.memory_space<vmem>>, vector<1x16xf32>,
        %swap3A_930 = vector.shape_cast %swap3A_929 : vector<1x16xf32> to vector<16xf32>
        %swap3A_931 = vector.shape_cast %add3A_855 : vector<16xf32> to vector<1x16xf32>
        tpu.vector_store %arg9[%swap3A_927, %swap3A_928], %swap3A_931 {strides = array<i32>} : memref<16x1792xf32, #tpu.memory_space<vmem>>, vector<1x16xf32>,
        %get3A_932 = arith.index_cast %scan3A_22 : i32 to index
        %get3A_933 = arith.constant 96 : index
        %get3A_934 = tpu.vector_load %arg8[%get3A_932, %get3A_933] {strides = array<i32>} : memref<16x128xf32, #tpu.memory_space<vmem>>, vector<1x16xf32>,
        %get3A_935 = vector.shape_cast %get3A_934 : vector<1x16xf32> to vector<16xf32>
        %mul3A_936 = arith.constant 8 : i32
        %mul3A_937 = arith.muli %scan3A_22, %mul3A_936 : i32
        %add3A_938 = arith.constant 0 : i32
        %add3A_939 = arith.addi %mul3A_937, %add3A_938 : i32
        %get3A_940 = arith.index_cast %add3A_939 : i32 to index
        %get3A_941 = arith.constant 96 : index
        %get3A_942 = tpu.vector_load %arg7[%get3A_940, %get3A_941] {strides = array<i32>} : memref<128x128xf32, #tpu.memory_space<vmem>>, vector<1x16xf32>,
        %get3A_943 = vector.shape_cast %get3A_942 : vector<1x16xf32> to vector<16xf32>
        %add3A_944 = arith.addf %get3A_943, %get3A_935 : vector<16xf32>
        %mul3A_945 = arith.constant 8 : i32
        %mul3A_946 = arith.muli %scan3A_22, %mul3A_945 : i32
        %add3A_947 = arith.constant 1 : i32
        %add3A_948 = arith.addi %mul3A_946, %add3A_947 : i32
        %get3A_949 = arith.index_cast %add3A_948 : i32 to index
        %get3A_950 = arith.constant 96 : index
        %get3A_951 = tpu.vector_load %arg7[%get3A_949, %get3A_950] {strides = array<i32>} : memref<128x128xf32, #tpu.memory_space<vmem>>, vector<1x16xf32>,
        %get3A_952 = vector.shape_cast %get3A_951 : vector<1x16xf32> to vector<16xf32>
        %add3A_953 = arith.addf %get3A_952, %get3A_935 : vector<16xf32>
        %mul3A_954 = arith.constant 8 : i32
        %mul3A_955 = arith.muli %scan3A_22, %mul3A_954 : i32
        %add3A_956 = arith.constant 2 : i32
        %add3A_957 = arith.addi %mul3A_955, %add3A_956 : i32
        %get3A_958 = arith.index_cast %add3A_957 : i32 to index
        %get3A_959 = arith.constant 96 : index
        %get3A_960 = tpu.vector_load %arg7[%get3A_958, %get3A_959] {strides = array<i32>} : memref<128x128xf32, #tpu.memory_space<vmem>>, vector<1x16xf32>,
        %get3A_961 = vector.shape_cast %get3A_960 : vector<1x16xf32> to vector<16xf32>
        %add3A_962 = arith.addf %get3A_961, %get3A_935 : vector<16xf32>
        %mul3A_963 = arith.constant 8 : i32
        %mul3A_964 = arith.muli %scan3A_22, %mul3A_963 : i32
        %add3A_965 = arith.constant 3 : i32
        %add3A_966 = arith.addi %mul3A_964, %add3A_965 : i32
        %get3A_967 = arith.index_cast %add3A_966 : i32 to index
        %get3A_968 = arith.constant 96 : index
        %get3A_969 = tpu.vector_load %arg7[%get3A_967, %get3A_968] {strides = array<i32>} : memref<128x128xf32, #tpu.memory_space<vmem>>, vector<1x16xf32>,
        %get3A_970 = vector.shape_cast %get3A_969 : vector<1x16xf32> to vector<16xf32>
        %add3A_971 = arith.addf %get3A_970, %get3A_935 : vector<16xf32>
        %mul3A_972 = arith.constant 8 : i32
        %mul3A_973 = arith.muli %scan3A_22, %mul3A_972 : i32
        %add3A_974 = arith.constant 4 : i32
        %add3A_975 = arith.addi %mul3A_973, %add3A_974 : i32
        %get3A_976 = arith.index_cast %add3A_975 : i32 to index
        %get3A_977 = arith.constant 96 : index
        %get3A_978 = tpu.vector_load %arg7[%get3A_976, %get3A_977] {strides = array<i32>} : memref<128x128xf32, #tpu.memory_space<vmem>>, vector<1x16xf32>,
        %get3A_979 = vector.shape_cast %get3A_978 : vector<1x16xf32> to vector<16xf32>
        %add3A_980 = arith.addf %get3A_979, %get3A_935 : vector<16xf32>
        %mul3A_981 = arith.constant 8 : i32
        %mul3A_982 = arith.muli %scan3A_22, %mul3A_981 : i32
        %add3A_983 = arith.constant 5 : i32
        %add3A_984 = arith.addi %mul3A_982, %add3A_983 : i32
        %get3A_985 = arith.index_cast %add3A_984 : i32 to index
        %get3A_986 = arith.constant 96 : index
        %get3A_987 = tpu.vector_load %arg7[%get3A_985, %get3A_986] {strides = array<i32>} : memref<128x128xf32, #tpu.memory_space<vmem>>, vector<1x16xf32>,
        %get3A_988 = vector.shape_cast %get3A_987 : vector<1x16xf32> to vector<16xf32>
        %add3A_989 = arith.addf %get3A_988, %get3A_935 : vector<16xf32>
        %mul3A_990 = arith.constant 8 : i32
        %mul3A_991 = arith.muli %scan3A_22, %mul3A_990 : i32
        %add3A_992 = arith.constant 6 : i32
        %add3A_993 = arith.addi %mul3A_991, %add3A_992 : i32
        %get3A_994 = arith.index_cast %add3A_993 : i32 to index
        %get3A_995 = arith.constant 96 : index
        %get3A_996 = tpu.vector_load %arg7[%get3A_994, %get3A_995] {strides = array<i32>} : memref<128x128xf32, #tpu.memory_space<vmem>>, vector<1x16xf32>,
        %get3A_997 = vector.shape_cast %get3A_996 : vector<1x16xf32> to vector<16xf32>
        %add3A_998 = arith.addf %get3A_997, %get3A_935 : vector<16xf32>
        %mul3A_999 = arith.constant 8 : i32
        %mul3A_1000 = arith.muli %scan3A_22, %mul3A_999 : i32
        %add3A_1001 = arith.constant 7 : i32
        %add3A_1002 = arith.addi %mul3A_1000, %add3A_1001 : i32
        %get3A_1003 = arith.index_cast %add3A_1002 : i32 to index
        %get3A_1004 = arith.constant 96 : index
        %get3A_1005 = tpu.vector_load %arg7[%get3A_1003, %get3A_1004] {strides = array<i32>} : memref<128x128xf32, #tpu.memory_space<vmem>>, vector<1x16xf32>,
        %get3A_1006 = vector.shape_cast %get3A_1005 : vector<1x16xf32> to vector<16xf32>
        %add3A_1007 = arith.addf %get3A_1006, %get3A_935 : vector<16xf32>
        %max3A_1008 = arith.maximumf %add3A_944, %add3A_953 : vector<16xf32>
        %max3A_1009 = arith.maximumf %add3A_962, %add3A_971 : vector<16xf32>
        %max3A_1010 = arith.maximumf %add3A_980, %add3A_989 : vector<16xf32>
        %max3A_1011 = arith.maximumf %add3A_998, %add3A_1007 : vector<16xf32>
        %max3A_1012 = arith.maximumf %max3A_1008, %max3A_1009 : vector<16xf32>
        %max3A_1013 = arith.maximumf %max3A_1010, %max3A_1011 : vector<16xf32>
        %swap3A_1014 = arith.index_cast %scan3A_22 : i32 to index
        %swap3A_1015 = arith.constant 96 : index
        %swap3A_1016 = tpu.vector_load %arg9[%swap3A_1014, %swap3A_1015] {strides = array<i32>} : memref<16x1792xf32, #tpu.memory_space<vmem>>, vector<1x16xf32>,
        %swap3A_1017 = vector.shape_cast %swap3A_1016 : vector<1x16xf32> to vector<16xf32>
        %swap3A_1018 = vector.shape_cast %max3A_1012 : vector<16xf32> to vector<1x16xf32>
        tpu.vector_store %arg9[%swap3A_1014, %swap3A_1015], %swap3A_1018 {strides = array<i32>} : memref<16x1792xf32, #tpu.memory_space<vmem>>, vector<1x16xf32>,
        %swap3A_1019 = arith.index_cast %scan3A_22 : i32 to index
        %swap3A_1020 = arith.constant 224 : index
        %swap3A_1021 = tpu.vector_load %arg9[%swap3A_1019, %swap3A_1020] {strides = array<i32>} : memref<16x1792xf32, #tpu.memory_space<vmem>>, vector<1x16xf32>,
        %swap3A_1022 = vector.shape_cast %swap3A_1021 : vector<1x16xf32> to vector<16xf32>
        %swap3A_1023 = vector.shape_cast %max3A_1013 : vector<16xf32> to vector<1x16xf32>
        tpu.vector_store %arg9[%swap3A_1019, %swap3A_1020], %swap3A_1023 {strides = array<i32>} : memref<16x1792xf32, #tpu.memory_space<vmem>>, vector<1x16xf32>,
        %swap3A_1024 = arith.index_cast %scan3A_22 : i32 to index
        %swap3A_1025 = arith.constant 352 : index
        %swap3A_1026 = tpu.vector_load %arg9[%swap3A_1024, %swap3A_1025] {strides = array<i32>} : memref<16x1792xf32, #tpu.memory_space<vmem>>, vector<1x16xf32>,
        %swap3A_1027 = vector.shape_cast %swap3A_1026 : vector<1x16xf32> to vector<16xf32>
        %swap3A_1028 = vector.shape_cast %max3A_1008 : vector<16xf32> to vector<1x16xf32>
        tpu.vector_store %arg9[%swap3A_1024, %swap3A_1025], %swap3A_1028 {strides = array<i32>} : memref<16x1792xf32, #tpu.memory_space<vmem>>, vector<1x16xf32>,
        %swap3A_1029 = arith.index_cast %scan3A_22 : i32 to index
        %swap3A_1030 = arith.constant 480 : index
        %swap3A_1031 = tpu.vector_load %arg9[%swap3A_1029, %swap3A_1030] {strides = array<i32>} : memref<16x1792xf32, #tpu.memory_space<vmem>>, vector<1x16xf32>,
        %swap3A_1032 = vector.shape_cast %swap3A_1031 : vector<1x16xf32> to vector<16xf32>
        %swap3A_1033 = vector.shape_cast %max3A_1009 : vector<16xf32> to vector<1x16xf32>
        tpu.vector_store %arg9[%swap3A_1029, %swap3A_1030], %swap3A_1033 {strides = array<i32>} : memref<16x1792xf32, #tpu.memory_space<vmem>>, vector<1x16xf32>,
        %swap3A_1034 = arith.index_cast %scan3A_22 : i32 to index
        %swap3A_1035 = arith.constant 608 : index
        %swap3A_1036 = tpu.vector_load %arg9[%swap3A_1034, %swap3A_1035] {strides = array<i32>} : memref<16x1792xf32, #tpu.memory_space<vmem>>, vector<1x16xf32>,
        %swap3A_1037 = vector.shape_cast %swap3A_1036 : vector<1x16xf32> to vector<16xf32>
        %swap3A_1038 = vector.shape_cast %max3A_1010 : vector<16xf32> to vector<1x16xf32>
        tpu.vector_store %arg9[%swap3A_1034, %swap3A_1035], %swap3A_1038 {strides = array<i32>} : memref<16x1792xf32, #tpu.memory_space<vmem>>, vector<1x16xf32>,
        %swap3A_1039 = arith.index_cast %scan3A_22 : i32 to index
        %swap3A_1040 = arith.constant 736 : index
        %swap3A_1041 = tpu.vector_load %arg9[%swap3A_1039, %swap3A_1040] {strides = array<i32>} : memref<16x1792xf32, #tpu.memory_space<vmem>>, vector<1x16xf32>,
        %swap3A_1042 = vector.shape_cast %swap3A_1041 : vector<1x16xf32> to vector<16xf32>
        %swap3A_1043 = vector.shape_cast %max3A_1011 : vector<16xf32> to vector<1x16xf32>
        tpu.vector_store %arg9[%swap3A_1039, %swap3A_1040], %swap3A_1043 {strides = array<i32>} : memref<16x1792xf32, #tpu.memory_space<vmem>>, vector<1x16xf32>,
        %swap3A_1044 = arith.index_cast %scan3A_22 : i32 to index
        %swap3A_1045 = arith.constant 864 : index
        %swap3A_1046 = tpu.vector_load %arg9[%swap3A_1044, %swap3A_1045] {strides = array<i32>} : memref<16x1792xf32, #tpu.memory_space<vmem>>, vector<1x16xf32>,
        %swap3A_1047 = vector.shape_cast %swap3A_1046 : vector<1x16xf32> to vector<16xf32>
        %swap3A_1048 = vector.shape_cast %add3A_944 : vector<16xf32> to vector<1x16xf32>
        tpu.vector_store %arg9[%swap3A_1044, %swap3A_1045], %swap3A_1048 {strides = array<i32>} : memref<16x1792xf32, #tpu.memory_space<vmem>>, vector<1x16xf32>,
        %swap3A_1049 = arith.index_cast %scan3A_22 : i32 to index
        %swap3A_1050 = arith.constant 992 : index
        %swap3A_1051 = tpu.vector_load %arg9[%swap3A_1049, %swap3A_1050] {strides = array<i32>} : memref<16x1792xf32, #tpu.memory_space<vmem>>, vector<1x16xf32>,
        %swap3A_1052 = vector.shape_cast %swap3A_1051 : vector<1x16xf32> to vector<16xf32>
        %swap3A_1053 = vector.shape_cast %add3A_953 : vector<16xf32> to vector<1x16xf32>
        tpu.vector_store %arg9[%swap3A_1049, %swap3A_1050], %swap3A_1053 {strides = array<i32>} : memref<16x1792xf32, #tpu.memory_space<vmem>>, vector<1x16xf32>,
        %swap3A_1054 = arith.index_cast %scan3A_22 : i32 to index
        %swap3A_1055 = arith.constant 1120 : index
        %swap3A_1056 = tpu.vector_load %arg9[%swap3A_1054, %swap3A_1055] {strides = array<i32>} : memref<16x1792xf32, #tpu.memory_space<vmem>>, vector<1x16xf32>,
        %swap3A_1057 = vector.shape_cast %swap3A_1056 : vector<1x16xf32> to vector<16xf32>
        %swap3A_1058 = vector.shape_cast %add3A_962 : vector<16xf32> to vector<1x16xf32>
        tpu.vector_store %arg9[%swap3A_1054, %swap3A_1055], %swap3A_1058 {strides = array<i32>} : memref<16x1792xf32, #tpu.memory_space<vmem>>, vector<1x16xf32>,
        %swap3A_1059 = arith.index_cast %scan3A_22 : i32 to index
        %swap3A_1060 = arith.constant 1248 : index
        %swap3A_1061 = tpu.vector_load %arg9[%swap3A_1059, %swap3A_1060] {strides = array<i32>} : memref<16x1792xf32, #tpu.memory_space<vmem>>, vector<1x16xf32>,
        %swap3A_1062 = vector.shape_cast %swap3A_1061 : vector<1x16xf32> to vector<16xf32>
        %swap3A_1063 = vector.shape_cast %add3A_971 : vector<16xf32> to vector<1x16xf32>
        tpu.vector_store %arg9[%swap3A_1059, %swap3A_1060], %swap3A_1063 {strides = array<i32>} : memref<16x1792xf32, #tpu.memory_space<vmem>>, vector<1x16xf32>,
        %swap3A_1064 = arith.index_cast %scan3A_22 : i32 to index
        %swap3A_1065 = arith.constant 1376 : index
        %swap3A_1066 = tpu.vector_load %arg9[%swap3A_1064, %swap3A_1065] {strides = array<i32>} : memref<16x1792xf32, #tpu.memory_space<vmem>>, vector<1x16xf32>,
        %swap3A_1067 = vector.shape_cast %swap3A_1066 : vector<1x16xf32> to vector<16xf32>
        %swap3A_1068 = vector.shape_cast %add3A_980 : vector<16xf32> to vector<1x16xf32>
        tpu.vector_store %arg9[%swap3A_1064, %swap3A_1065], %swap3A_1068 {strides = array<i32>} : memref<16x1792xf32, #tpu.memory_space<vmem>>, vector<1x16xf32>,
        %swap3A_1069 = arith.index_cast %scan3A_22 : i32 to index
        %swap3A_1070 = arith.constant 1504 : index
        %swap3A_1071 = tpu.vector_load %arg9[%swap3A_1069, %swap3A_1070] {strides = array<i32>} : memref<16x1792xf32, #tpu.memory_space<vmem>>, vector<1x16xf32>,
        %swap3A_1072 = vector.shape_cast %swap3A_1071 : vector<1x16xf32> to vector<16xf32>
        %swap3A_1073 = vector.shape_cast %add3A_989 : vector<16xf32> to vector<1x16xf32>
        tpu.vector_store %arg9[%swap3A_1069, %swap3A_1070], %swap3A_1073 {strides = array<i32>} : memref<16x1792xf32, #tpu.memory_space<vmem>>, vector<1x16xf32>,
        %swap3A_1074 = arith.index_cast %scan3A_22 : i32 to index
        %swap3A_1075 = arith.constant 1632 : index
        %swap3A_1076 = tpu.vector_load %arg9[%swap3A_1074, %swap3A_1075] {strides = array<i32>} : memref<16x1792xf32, #tpu.memory_space<vmem>>, vector<1x16xf32>,
        %swap3A_1077 = vector.shape_cast %swap3A_1076 : vector<1x16xf32> to vector<16xf32>
        %swap3A_1078 = vector.shape_cast %add3A_998 : vector<16xf32> to vector<1x16xf32>
        tpu.vector_store %arg9[%swap3A_1074, %swap3A_1075], %swap3A_1078 {strides = array<i32>} : memref<16x1792xf32, #tpu.memory_space<vmem>>, vector<1x16xf32>,
        %swap3A_1079 = arith.index_cast %scan3A_22 : i32 to index
        %swap3A_1080 = arith.constant 1760 : index
        %swap3A_1081 = tpu.vector_load %arg9[%swap3A_1079, %swap3A_1080] {strides = array<i32>} : memref<16x1792xf32, #tpu.memory_space<vmem>>, vector<1x16xf32>,
        %swap3A_1082 = vector.shape_cast %swap3A_1081 : vector<1x16xf32> to vector<16xf32>
        %swap3A_1083 = vector.shape_cast %add3A_1007 : vector<16xf32> to vector<1x16xf32>
        tpu.vector_store %arg9[%swap3A_1079, %swap3A_1080], %swap3A_1083 {strides = array<i32>} : memref<16x1792xf32, #tpu.memory_space<vmem>>, vector<1x16xf32>,
        %get3A_1084 = arith.index_cast %scan3A_22 : i32 to index
        %get3A_1085 = arith.constant 112 : index
        %get3A_1086 = tpu.vector_load %arg8[%get3A_1084, %get3A_1085] {strides = array<i32>} : memref<16x128xf32, #tpu.memory_space<vmem>>, vector<1x16xf32>,
        %get3A_1087 = vector.shape_cast %get3A_1086 : vector<1x16xf32> to vector<16xf32>
        %mul3A_1088 = arith.constant 8 : i32
        %mul3A_1089 = arith.muli %scan3A_22, %mul3A_1088 : i32
        %add3A_1090 = arith.constant 0 : i32
        %add3A_1091 = arith.addi %mul3A_1089, %add3A_1090 : i32
        %get3A_1092 = arith.index_cast %add3A_1091 : i32 to index
        %get3A_1093 = arith.constant 112 : index
        %get3A_1094 = tpu.vector_load %arg7[%get3A_1092, %get3A_1093] {strides = array<i32>} : memref<128x128xf32, #tpu.memory_space<vmem>>, vector<1x16xf32>,
        %get3A_1095 = vector.shape_cast %get3A_1094 : vector<1x16xf32> to vector<16xf32>
        %add3A_1096 = arith.addf %get3A_1095, %get3A_1087 : vector<16xf32>
        %mul3A_1097 = arith.constant 8 : i32
        %mul3A_1098 = arith.muli %scan3A_22, %mul3A_1097 : i32
        %add3A_1099 = arith.constant 1 : i32
        %add3A_1100 = arith.addi %mul3A_1098, %add3A_1099 : i32
        %get3A_1101 = arith.index_cast %add3A_1100 : i32 to index
        %get3A_1102 = arith.constant 112 : index
        %get3A_1103 = tpu.vector_load %arg7[%get3A_1101, %get3A_1102] {strides = array<i32>} : memref<128x128xf32, #tpu.memory_space<vmem>>, vector<1x16xf32>,
        %get3A_1104 = vector.shape_cast %get3A_1103 : vector<1x16xf32> to vector<16xf32>
        %add3A_1105 = arith.addf %get3A_1104, %get3A_1087 : vector<16xf32>
        %mul3A_1106 = arith.constant 8 : i32
        %mul3A_1107 = arith.muli %scan3A_22, %mul3A_1106 : i32
        %add3A_1108 = arith.constant 2 : i32
        %add3A_1109 = arith.addi %mul3A_1107, %add3A_1108 : i32
        %get3A_1110 = arith.index_cast %add3A_1109 : i32 to index
        %get3A_1111 = arith.constant 112 : index
        %get3A_1112 = tpu.vector_load %arg7[%get3A_1110, %get3A_1111] {strides = array<i32>} : memref<128x128xf32, #tpu.memory_space<vmem>>, vector<1x16xf32>,
        %get3A_1113 = vector.shape_cast %get3A_1112 : vector<1x16xf32> to vector<16xf32>
        %add3A_1114 = arith.addf %get3A_1113, %get3A_1087 : vector<16xf32>
        %mul3A_1115 = arith.constant 8 : i32
        %mul3A_1116 = arith.muli %scan3A_22, %mul3A_1115 : i32
        %add3A_1117 = arith.constant 3 : i32
        %add3A_1118 = arith.addi %mul3A_1116, %add3A_1117 : i32
        %get3A_1119 = arith.index_cast %add3A_1118 : i32 to index
        %get3A_1120 = arith.constant 112 : index
        %get3A_1121 = tpu.vector_load %arg7[%get3A_1119, %get3A_1120] {strides = array<i32>} : memref<128x128xf32, #tpu.memory_space<vmem>>, vector<1x16xf32>,
        %get3A_1122 = vector.shape_cast %get3A_1121 : vector<1x16xf32> to vector<16xf32>
        %add3A_1123 = arith.addf %get3A_1122, %get3A_1087 : vector<16xf32>
        %mul3A_1124 = arith.constant 8 : i32
        %mul3A_1125 = arith.muli %scan3A_22, %mul3A_1124 : i32
        %add3A_1126 = arith.constant 4 : i32
        %add3A_1127 = arith.addi %mul3A_1125, %add3A_1126 : i32
        %get3A_1128 = arith.index_cast %add3A_1127 : i32 to index
        %get3A_1129 = arith.constant 112 : index
        %get3A_1130 = tpu.vector_load %arg7[%get3A_1128, %get3A_1129] {strides = array<i32>} : memref<128x128xf32, #tpu.memory_space<vmem>>, vector<1x16xf32>,
        %get3A_1131 = vector.shape_cast %get3A_1130 : vector<1x16xf32> to vector<16xf32>
        %add3A_1132 = arith.addf %get3A_1131, %get3A_1087 : vector<16xf32>
        %mul3A_1133 = arith.constant 8 : i32
        %mul3A_1134 = arith.muli %scan3A_22, %mul3A_1133 : i32
        %add3A_1135 = arith.constant 5 : i32
        %add3A_1136 = arith.addi %mul3A_1134, %add3A_1135 : i32
        %get3A_1137 = arith.index_cast %add3A_1136 : i32 to index
        %get3A_1138 = arith.constant 112 : index
        %get3A_1139 = tpu.vector_load %arg7[%get3A_1137, %get3A_1138] {strides = array<i32>} : memref<128x128xf32, #tpu.memory_space<vmem>>, vector<1x16xf32>,
        %get3A_1140 = vector.shape_cast %get3A_1139 : vector<1x16xf32> to vector<16xf32>
        %add3A_1141 = arith.addf %get3A_1140, %get3A_1087 : vector<16xf32>
        %mul3A_1142 = arith.constant 8 : i32
        %mul3A_1143 = arith.muli %scan3A_22, %mul3A_1142 : i32
        %add3A_1144 = arith.constant 6 : i32
        %add3A_1145 = arith.addi %mul3A_1143, %add3A_1144 : i32
        %get3A_1146 = arith.index_cast %add3A_1145 : i32 to index
        %get3A_1147 = arith.constant 112 : index
        %get3A_1148 = tpu.vector_load %arg7[%get3A_1146, %get3A_1147] {strides = array<i32>} : memref<128x128xf32, #tpu.memory_space<vmem>>, vector<1x16xf32>,
        %get3A_1149 = vector.shape_cast %get3A_1148 : vector<1x16xf32> to vector<16xf32>
        %add3A_1150 = arith.addf %get3A_1149, %get3A_1087 : vector<16xf32>
        %mul3A_1151 = arith.constant 8 : i32
        %mul3A_1152 = arith.muli %scan3A_22, %mul3A_1151 : i32
        %add3A_1153 = arith.constant 7 : i32
        %add3A_1154 = arith.addi %mul3A_1152, %add3A_1153 : i32
        %get3A_1155 = arith.index_cast %add3A_1154 : i32 to index
        %get3A_1156 = arith.constant 112 : index
        %get3A_1157 = tpu.vector_load %arg7[%get3A_1155, %get3A_1156] {strides = array<i32>} : memref<128x128xf32, #tpu.memory_space<vmem>>, vector<1x16xf32>,
        %get3A_1158 = vector.shape_cast %get3A_1157 : vector<1x16xf32> to vector<16xf32>
        %add3A_1159 = arith.addf %get3A_1158, %get3A_1087 : vector<16xf32>
        %max3A_1160 = arith.maximumf %add3A_1096, %add3A_1105 : vector<16xf32>
        %max3A_1161 = arith.maximumf %add3A_1114, %add3A_1123 : vector<16xf32>
        %max3A_1162 = arith.maximumf %add3A_1132, %add3A_1141 : vector<16xf32>
        %max3A_1163 = arith.maximumf %add3A_1150, %add3A_1159 : vector<16xf32>
        %max3A_1164 = arith.maximumf %max3A_1160, %max3A_1161 : vector<16xf32>
        %max3A_1165 = arith.maximumf %max3A_1162, %max3A_1163 : vector<16xf32>
        %swap3A_1166 = arith.index_cast %scan3A_22 : i32 to index
        %swap3A_1167 = arith.constant 112 : index
        %swap3A_1168 = tpu.vector_load %arg9[%swap3A_1166, %swap3A_1167] {strides = array<i32>} : memref<16x1792xf32, #tpu.memory_space<vmem>>, vector<1x16xf32>,
        %swap3A_1169 = vector.shape_cast %swap3A_1168 : vector<1x16xf32> to vector<16xf32>
        %swap3A_1170 = vector.shape_cast %max3A_1164 : vector<16xf32> to vector<1x16xf32>
        tpu.vector_store %arg9[%swap3A_1166, %swap3A_1167], %swap3A_1170 {strides = array<i32>} : memref<16x1792xf32, #tpu.memory_space<vmem>>, vector<1x16xf32>,
        %swap3A_1171 = arith.index_cast %scan3A_22 : i32 to index
        %swap3A_1172 = arith.constant 240 : index
        %swap3A_1173 = tpu.vector_load %arg9[%swap3A_1171, %swap3A_1172] {strides = array<i32>} : memref<16x1792xf32, #tpu.memory_space<vmem>>, vector<1x16xf32>,
        %swap3A_1174 = vector.shape_cast %swap3A_1173 : vector<1x16xf32> to vector<16xf32>
        %swap3A_1175 = vector.shape_cast %max3A_1165 : vector<16xf32> to vector<1x16xf32>
        tpu.vector_store %arg9[%swap3A_1171, %swap3A_1172], %swap3A_1175 {strides = array<i32>} : memref<16x1792xf32, #tpu.memory_space<vmem>>, vector<1x16xf32>,
        %swap3A_1176 = arith.index_cast %scan3A_22 : i32 to index
        %swap3A_1177 = arith.constant 368 : index
        %swap3A_1178 = tpu.vector_load %arg9[%swap3A_1176, %swap3A_1177] {strides = array<i32>} : memref<16x1792xf32, #tpu.memory_space<vmem>>, vector<1x16xf32>,
        %swap3A_1179 = vector.shape_cast %swap3A_1178 : vector<1x16xf32> to vector<16xf32>
        %swap3A_1180 = vector.shape_cast %max3A_1160 : vector<16xf32> to vector<1x16xf32>
        tpu.vector_store %arg9[%swap3A_1176, %swap3A_1177], %swap3A_1180 {strides = array<i32>} : memref<16x1792xf32, #tpu.memory_space<vmem>>, vector<1x16xf32>,
        %swap3A_1181 = arith.index_cast %scan3A_22 : i32 to index
        %swap3A_1182 = arith.constant 496 : index
        %swap3A_1183 = tpu.vector_load %arg9[%swap3A_1181, %swap3A_1182] {strides = array<i32>} : memref<16x1792xf32, #tpu.memory_space<vmem>>, vector<1x16xf32>,
        %swap3A_1184 = vector.shape_cast %swap3A_1183 : vector<1x16xf32> to vector<16xf32>
        %swap3A_1185 = vector.shape_cast %max3A_1161 : vector<16xf32> to vector<1x16xf32>
        tpu.vector_store %arg9[%swap3A_1181, %swap3A_1182], %swap3A_1185 {strides = array<i32>} : memref<16x1792xf32, #tpu.memory_space<vmem>>, vector<1x16xf32>,
        %swap3A_1186 = arith.index_cast %scan3A_22 : i32 to index
        %swap3A_1187 = arith.constant 624 : index
        %swap3A_1188 = tpu.vector_load %arg9[%swap3A_1186, %swap3A_1187] {strides = array<i32>} : memref<16x1792xf32, #tpu.memory_space<vmem>>, vector<1x16xf32>,
        %swap3A_1189 = vector.shape_cast %swap3A_1188 : vector<1x16xf32> to vector<16xf32>
        %swap3A_1190 = vector.shape_cast %max3A_1162 : vector<16xf32> to vector<1x16xf32>
        tpu.vector_store %arg9[%swap3A_1186, %swap3A_1187], %swap3A_1190 {strides = array<i32>} : memref<16x1792xf32, #tpu.memory_space<vmem>>, vector<1x16xf32>,
        %swap3A_1191 = arith.index_cast %scan3A_22 : i32 to index
        %swap3A_1192 = arith.constant 752 : index
        %swap3A_1193 = tpu.vector_load %arg9[%swap3A_1191, %swap3A_1192] {strides = array<i32>} : memref<16x1792xf32, #tpu.memory_space<vmem>>, vector<1x16xf32>,
        %swap3A_1194 = vector.shape_cast %swap3A_1193 : vector<1x16xf32> to vector<16xf32>
        %swap3A_1195 = vector.shape_cast %max3A_1163 : vector<16xf32> to vector<1x16xf32>
        tpu.vector_store %arg9[%swap3A_1191, %swap3A_1192], %swap3A_1195 {strides = array<i32>} : memref<16x1792xf32, #tpu.memory_space<vmem>>, vector<1x16xf32>,
        %swap3A_1196 = arith.index_cast %scan3A_22 : i32 to index
        %swap3A_1197 = arith.constant 880 : index
        %swap3A_1198 = tpu.vector_load %arg9[%swap3A_1196, %swap3A_1197] {strides = array<i32>} : memref<16x1792xf32, #tpu.memory_space<vmem>>, vector<1x16xf32>,
        %swap3A_1199 = vector.shape_cast %swap3A_1198 : vector<1x16xf32> to vector<16xf32>
        %swap3A_1200 = vector.shape_cast %add3A_1096 : vector<16xf32> to vector<1x16xf32>
        tpu.vector_store %arg9[%swap3A_1196, %swap3A_1197], %swap3A_1200 {strides = array<i32>} : memref<16x1792xf32, #tpu.memory_space<vmem>>, vector<1x16xf32>,
        %swap3A_1201 = arith.index_cast %scan3A_22 : i32 to index
        %swap3A_1202 = arith.constant 1008 : index
        %swap3A_1203 = tpu.vector_load %arg9[%swap3A_1201, %swap3A_1202] {strides = array<i32>} : memref<16x1792xf32, #tpu.memory_space<vmem>>, vector<1x16xf32>,
        %swap3A_1204 = vector.shape_cast %swap3A_1203 : vector<1x16xf32> to vector<16xf32>
        %swap3A_1205 = vector.shape_cast %add3A_1105 : vector<16xf32> to vector<1x16xf32>
        tpu.vector_store %arg9[%swap3A_1201, %swap3A_1202], %swap3A_1205 {strides = array<i32>} : memref<16x1792xf32, #tpu.memory_space<vmem>>, vector<1x16xf32>,
        %swap3A_1206 = arith.index_cast %scan3A_22 : i32 to index
        %swap3A_1207 = arith.constant 1136 : index
        %swap3A_1208 = tpu.vector_load %arg9[%swap3A_1206, %swap3A_1207] {strides = array<i32>} : memref<16x1792xf32, #tpu.memory_space<vmem>>, vector<1x16xf32>,
        %swap3A_1209 = vector.shape_cast %swap3A_1208 : vector<1x16xf32> to vector<16xf32>
        %swap3A_1210 = vector.shape_cast %add3A_1114 : vector<16xf32> to vector<1x16xf32>
        tpu.vector_store %arg9[%swap3A_1206, %swap3A_1207], %swap3A_1210 {strides = array<i32>} : memref<16x1792xf32, #tpu.memory_space<vmem>>, vector<1x16xf32>,
        %swap3A_1211 = arith.index_cast %scan3A_22 : i32 to index
        %swap3A_1212 = arith.constant 1264 : index
        %swap3A_1213 = tpu.vector_load %arg9[%swap3A_1211, %swap3A_1212] {strides = array<i32>} : memref<16x1792xf32, #tpu.memory_space<vmem>>, vector<1x16xf32>,
        %swap3A_1214 = vector.shape_cast %swap3A_1213 : vector<1x16xf32> to vector<16xf32>
        %swap3A_1215 = vector.shape_cast %add3A_1123 : vector<16xf32> to vector<1x16xf32>
        tpu.vector_store %arg9[%swap3A_1211, %swap3A_1212], %swap3A_1215 {strides = array<i32>} : memref<16x1792xf32, #tpu.memory_space<vmem>>, vector<1x16xf32>,
        %swap3A_1216 = arith.index_cast %scan3A_22 : i32 to index
        %swap3A_1217 = arith.constant 1392 : index
        %swap3A_1218 = tpu.vector_load %arg9[%swap3A_1216, %swap3A_1217] {strides = array<i32>} : memref<16x1792xf32, #tpu.memory_space<vmem>>, vector<1x16xf32>,
        %swap3A_1219 = vector.shape_cast %swap3A_1218 : vector<1x16xf32> to vector<16xf32>
        %swap3A_1220 = vector.shape_cast %add3A_1132 : vector<16xf32> to vector<1x16xf32>
        tpu.vector_store %arg9[%swap3A_1216, %swap3A_1217], %swap3A_1220 {strides = array<i32>} : memref<16x1792xf32, #tpu.memory_space<vmem>>, vector<1x16xf32>,
        %swap3A_1221 = arith.index_cast %scan3A_22 : i32 to index
        %swap3A_1222 = arith.constant 1520 : index
        %swap3A_1223 = tpu.vector_load %arg9[%swap3A_1221, %swap3A_1222] {strides = array<i32>} : memref<16x1792xf32, #tpu.memory_space<vmem>>, vector<1x16xf32>,
        %swap3A_1224 = vector.shape_cast %swap3A_1223 : vector<1x16xf32> to vector<16xf32>
        %swap3A_1225 = vector.shape_cast %add3A_1141 : vector<16xf32> to vector<1x16xf32>
        tpu.vector_store %arg9[%swap3A_1221, %swap3A_1222], %swap3A_1225 {strides = array<i32>} : memref<16x1792xf32, #tpu.memory_space<vmem>>, vector<1x16xf32>,
        %swap3A_1226 = arith.index_cast %scan3A_22 : i32 to index
        %swap3A_1227 = arith.constant 1648 : index
        %swap3A_1228 = tpu.vector_load %arg9[%swap3A_1226, %swap3A_1227] {strides = array<i32>} : memref<16x1792xf32, #tpu.memory_space<vmem>>, vector<1x16xf32>,
        %swap3A_1229 = vector.shape_cast %swap3A_1228 : vector<1x16xf32> to vector<16xf32>
        %swap3A_1230 = vector.shape_cast %add3A_1150 : vector<16xf32> to vector<1x16xf32>
        tpu.vector_store %arg9[%swap3A_1226, %swap3A_1227], %swap3A_1230 {strides = array<i32>} : memref<16x1792xf32, #tpu.memory_space<vmem>>, vector<1x16xf32>,
        %swap3A_1231 = arith.index_cast %scan3A_22 : i32 to index
        %swap3A_1232 = arith.constant 1776 : index
        %swap3A_1233 = tpu.vector_load %arg9[%swap3A_1231, %swap3A_1232] {strides = array<i32>} : memref<16x1792xf32, #tpu.memory_space<vmem>>, vector<1x16xf32>,
        %swap3A_1234 = vector.shape_cast %swap3A_1233 : vector<1x16xf32> to vector<16xf32>
        %swap3A_1235 = vector.shape_cast %add3A_1159 : vector<16xf32> to vector<1x16xf32>
        tpu.vector_store %arg9[%swap3A_1231, %swap3A_1232], %swap3A_1235 {strides = array<i32>} : memref<16x1792xf32, #tpu.memory_space<vmem>>, vector<1x16xf32>,
      }
      %scan3A_21 = arith.constant 16 : i32
      "tpu.region"() ({
        %run_scoped3A = tpu.sem_alloc : memref<!tpu.dma_semaphore, #tpu.memory_space<semaphore_mem>>
        %dma_start3A_22 = arith.constant 0 : i32
        %dma_start3A_23 = tpu.memref_slice %arg5[%add3A_10, %dma_start3A_22] : memref<8192x1792xf32, #tpu.memory_space<hbm>> -> memref<16x1792xf32, #tpu.memory_space<hbm>>
        %dma_start3A_24 = arith.constant 0 : i32
        %dma_start3A_25 = tpu.memref_slice %arg5[%add3A_10, %dma_start3A_24] : memref<8192x1792xf32, #tpu.memory_space<hbm>> -> memref<16x1792xf32, #tpu.memory_space<hbm>>
        tpu.enqueue_dma source(%arg9 : memref<16x1792xf32, #tpu.memory_space<vmem>>) target(%dma_start3A_25 : memref<16x1792xf32, #tpu.memory_space<hbm>>) target_semaphore(%run_scoped3A : memref<!tpu.dma_semaphore, #tpu.memory_space<semaphore_mem>>)
        %dma_wait3A_26 = arith.constant 0 : i32
        %dma_wait3A_27 = tpu.memref_slice %arg5[%add3A_10, %dma_wait3A_26] : memref<8192x1792xf32, #tpu.memory_space<hbm>> -> memref<16x1792xf32, #tpu.memory_space<hbm>>
        %dma_wait3A_28 = arith.constant 0 : i32
        %dma_wait3A_29 = tpu.memref_slice %arg5[%add3A_10, %dma_wait3A_28] : memref<8192x1792xf32, #tpu.memory_space<hbm>> -> memref<16x1792xf32, #tpu.memory_space<hbm>>
        tpu.wait_dma2 semaphore(%run_scoped3A : memref<!tpu.dma_semaphore, #tpu.memory_space<semaphore_mem>>) src(%arg9 : memref<16x1792xf32, #tpu.memory_space<vmem>>) dst(%dma_wait3A_29 : memref<16x1792xf32, #tpu.memory_space<hbm>>)
        tpu.yield
      }) : () -> ()
    }
    %scan3A_6 = arith.constant 16 : i32
    return
  }
}

module attributes {stable_mosaic.version = 14 : i64} {
  func.func @_tc_kernel(%arg0: i32, %arg1: i32, %arg2: memref<1x3x1024xf32, #tpu.memory_space<vmem>>, %arg3: memref<1x1024x3xf32, #tpu.memory_space<vmem>>, %arg4: memref<128x3xf32, #tpu.memory_space<vmem>>, %arg5: memref<128x128xf32, #tpu.memory_space<vmem>>, %arg6: memref<128x128xf32, #tpu.memory_space<vmem>>, %arg7: memref<1x128xf32, #tpu.memory_space<vmem>>, %arg8: memref<1x128xf32, #tpu.memory_space<vmem>>, %arg9: memref<1x128xf32, #tpu.memory_space<vmem>>, %arg10: memref<1x1024x8xi32, #tpu.memory_space<vmem>>, %arg11: memref<1x1024x128xf32, #tpu.memory_space<vmem>>, %arg12: memref<1x1024x128xf32, #tpu.memory_space<vmem>>) attributes {dimension_semantics = [#tpu.dimension_semantics<parallel>, #tpu.dimension_semantics<parallel>], iteration_bounds = array<i64: 8, 1>, scalar_prefetch = 0 : i64, scratch_operands = 0 : i64, tpu.core_type = #tpu.core_type<tc>, window_params = [{transform_indices = @transform_0, window_bounds = array<i64: 1, 3, 1024>}, {transform_indices = @transform_1, window_bounds = array<i64: 1, 1024, 3>}, {pipeline_mode = #tpu.pipeline_mode<synchronous>, transform_indices = @transform_2, window_bounds = array<i64: 128, 3>}, {pipeline_mode = #tpu.pipeline_mode<synchronous>, transform_indices = @transform_3, window_bounds = array<i64: 128, 128>}, {pipeline_mode = #tpu.pipeline_mode<synchronous>, transform_indices = @transform_4, window_bounds = array<i64: 128, 128>}, {pipeline_mode = #tpu.pipeline_mode<synchronous>, transform_indices = @transform_5, window_bounds = array<i64: 1, 128>}, {pipeline_mode = #tpu.pipeline_mode<synchronous>, transform_indices = @transform_6, window_bounds = array<i64: 1, 128>}, {pipeline_mode = #tpu.pipeline_mode<synchronous>, transform_indices = @transform_7, window_bounds = array<i64: 1, 128>}, {transform_indices = @transform_8, window_bounds = array<i64: 1, 1024, 8>}, {transform_indices = @transform_9, window_bounds = array<i64: 1, 1024, 128>}, {transform_indices = @transform_10, window_bounds = array<i64: 1, 1024, 128>}]} {
    %get3A = arith.constant 0 : index
    %get3A_0 = arith.constant 0 : index
    %get3A_1 = vector.load %arg5[%get3A, %get3A_0] : memref<128x128xf32, #tpu.memory_space<vmem>>, vector<128x128xf32>
    %get3A_2 = arith.constant 0 : index
    %get3A_3 = arith.constant 0 : index
    %get3A_4 = vector.load %arg4[%get3A_2, %get3A_3] : memref<128x3xf32, #tpu.memory_space<vmem>>, vector<128x3xf32>
    %dot_general3A = arith.constant dense<0.000000e+00> : vector<128x3xf32>
    %dot_general3A_5 = tpu.matmul %get3A_1, %get3A_4, %dot_general3A {dimension_numbers = #tpu.dot_dimension_numbers<[1], [0], [0], [1], [0, 0, 1, 1], [], []>, precision = #tpu.contract_precision<fp32>, transpose_lhs_hint = false} : vector<128x128xf32>, vector<128x3xf32>, vector<128x3xf32> -> vector<128x3xf32>
    %get3A_6 = arith.constant 0 : index
    %get3A_7 = arith.constant 0 : index
    %get3A_8 = vector.load %arg6[%get3A_6, %get3A_7] : memref<128x128xf32, #tpu.memory_space<vmem>>, vector<128x128xf32>
    %dot_general3A_9 = arith.constant dense<0.000000e+00> : vector<128x3xf32>
    %dot_general3A_10 = tpu.matmul %get3A_8, %dot_general3A_5, %dot_general3A_9 {dimension_numbers = #tpu.dot_dimension_numbers<[1], [0], [0], [1], [0, 0, 1, 1], [], []>, precision = #tpu.contract_precision<fp32>, transpose_lhs_hint = false} : vector<128x128xf32>, vector<128x3xf32>, vector<128x3xf32> -> vector<128x3xf32>
    %get3A_11 = arith.constant 0 : index
    %get3A_12 = arith.constant 0 : index
    %get3A_13 = vector.load %arg7[%get3A_11, %get3A_12] : memref<1x128xf32, #tpu.memory_space<vmem>>, vector<1x128xf32>
    %get3A_14 = arith.constant 0 : index
    %get3A_15 = arith.constant 0 : index
    %get3A_16 = vector.load %arg5[%get3A_14, %get3A_15] : memref<128x128xf32, #tpu.memory_space<vmem>>, vector<128x128xf32>
    %dot_general3A_17 = arith.constant dense<0.000000e+00> : vector<1x128xf32>
    %dot_general3A_18 = tpu.matmul %get3A_13, %get3A_16, %dot_general3A_17 {dimension_numbers = #tpu.dot_dimension_numbers<[1], [1], [0], [0], [0, 0, 1, 0], [], []>, precision = #tpu.contract_precision<fp32>, transpose_lhs_hint = false} : vector<1x128xf32>, vector<128x128xf32>, vector<1x128xf32> -> vector<1x128xf32>
    %get3A_19 = arith.constant 0 : index
    %get3A_20 = arith.constant 0 : index
    %get3A_21 = vector.load %arg8[%get3A_19, %get3A_20] : memref<1x128xf32, #tpu.memory_space<vmem>>, vector<1x128xf32>
    %add3A = arith.addf %dot_general3A_18, %get3A_21 : vector<1x128xf32>
    %get3A_22 = arith.constant 0 : index
    %get3A_23 = arith.constant 0 : index
    %get3A_24 = vector.load %arg6[%get3A_22, %get3A_23] : memref<128x128xf32, #tpu.memory_space<vmem>>, vector<128x128xf32>
    %dot_general3A_25 = arith.constant dense<0.000000e+00> : vector<1x128xf32>
    %dot_general3A_26 = tpu.matmul %add3A, %get3A_24, %dot_general3A_25 {dimension_numbers = #tpu.dot_dimension_numbers<[1], [1], [0], [0], [0, 0, 1, 0], [], []>, precision = #tpu.contract_precision<fp32>, transpose_lhs_hint = false} : vector<1x128xf32>, vector<128x128xf32>, vector<1x128xf32> -> vector<1x128xf32>
    %get3A_27 = arith.constant 0 : index
    %get3A_28 = arith.constant 0 : index
    %get3A_29 = vector.load %arg9[%get3A_27, %get3A_28] : memref<1x128xf32, #tpu.memory_space<vmem>>, vector<1x128xf32>
    %add3A_30 = arith.addf %dot_general3A_26, %get3A_29 : vector<1x128xf32>
    %get3A_31 = arith.constant 0 : index
    %get3A_32 = arith.constant 0 : index
    %get3A_33 = arith.constant 0 : index
    %get3A_34 = vector.load %arg3[%get3A_31, %get3A_32, %get3A_33] : memref<1x1024x3xf32, #tpu.memory_space<vmem>>, vector<1x1024x3xf32>
    %get3A_35 = vector.shape_cast %get3A_34 : vector<1x1024x3xf32> to vector<1024x3xf32>
    %dot_general3A_36 = arith.constant dense<0.000000e+00> : vector<1024x128xf32>
    %dot_general3A_37 = tpu.matmul %get3A_35, %dot_general3A_10, %dot_general3A_36 {dimension_numbers = #tpu.dot_dimension_numbers<[1], [1], [0], [0], [0, 0, 1, 0], [], []>, precision = #tpu.contract_precision<fp32>, transpose_lhs_hint = false} : vector<1024x3xf32>, vector<128x3xf32>, vector<1024x128xf32> -> vector<1024x128xf32>
    %swap3A = arith.constant 0 : index
    %swap3A_38 = arith.constant 0 : index
    %swap3A_39 = arith.constant 0 : index
    %swap3A_40 = vector.load %arg11[%swap3A, %swap3A_38, %swap3A_39] : memref<1x1024x128xf32, #tpu.memory_space<vmem>>, vector<1x1024x128xf32>
    %swap3A_41 = vector.shape_cast %swap3A_40 : vector<1x1024x128xf32> to vector<1024x128xf32>
    %swap3A_42 = vector.shape_cast %dot_general3A_37 : vector<1024x128xf32> to vector<1x1024x128xf32>
    tpu.vector_store %arg11[%swap3A, %swap3A_38, %swap3A_39], %swap3A_42 {strides = array<i32>} : memref<1x1024x128xf32, #tpu.memory_space<vmem>>, vector<1x1024x128xf32>,
    %get3A_43 = arith.constant 0 : index
    %get3A_44 = arith.constant 0 : index
    %get3A_45 = arith.constant 0 : index
    %get3A_46 = vector.load %arg2[%get3A_43, %get3A_44, %get3A_45] : memref<1x3x1024xf32, #tpu.memory_space<vmem>>, vector<1x1x1024xf32>
    %get3A_47 = vector.shape_cast %get3A_46 : vector<1x1x1024xf32> to vector<1x1024xf32>
    %get3A_48 = arith.constant 0 : index
    %get3A_49 = arith.constant 1 : index
    %get3A_50 = arith.constant 0 : index
    %get3A_51 = vector.load %arg2[%get3A_48, %get3A_49, %get3A_50] : memref<1x3x1024xf32, #tpu.memory_space<vmem>>, vector<1x1x1024xf32>
    %get3A_52 = vector.shape_cast %get3A_51 : vector<1x1x1024xf32> to vector<1x1024xf32>
    %get3A_53 = arith.constant 0 : index
    %get3A_54 = arith.constant 2 : index
    %get3A_55 = arith.constant 0 : index
    %get3A_56 = vector.load %arg2[%get3A_53, %get3A_54, %get3A_55] : memref<1x3x1024xf32, #tpu.memory_space<vmem>>, vector<1x1x1024xf32>
    %get3A_57 = vector.shape_cast %get3A_56 : vector<1x1x1024xf32> to vector<1x1024xf32>
    %mul3A = arith.constant 1024 : i32
    %mul3A_58 = arith.muli %arg1, %mul3A : i32
    %get3A_59 = arith.constant 0 : index
    %get3A_60 = arith.index_cast %mul3A_58 : i32 to index
    %get3A_61 = arith.constant 0 : index
    %get3A_62 = vector.load %arg3[%get3A_59, %get3A_60, %get3A_61] : memref<1x1024x3xf32, #tpu.memory_space<vmem>>, vector<1x1024x3xf32>
    %get3A_63 = vector.shape_cast %get3A_62 : vector<1x1024x3xf32> to vector<1024x3xf32>
    %slice3A = vector.extract_strided_slice %get3A_63 {offsets = [0, 0], sizes = [1024, 1], strides = [1, 1]} : vector<1024x3xf32> to vector<1024x1xf32>
    %slice3A_64 = vector.extract_strided_slice %get3A_63 {offsets = [0, 1], sizes = [1024, 1], strides = [1, 1]} : vector<1024x3xf32> to vector<1024x1xf32>
    %slice3A_65 = vector.extract_strided_slice %get3A_63 {offsets = [0, 2], sizes = [1024, 1], strides = [1, 1]} : vector<1024x3xf32> to vector<1024x1xf32>
    %sub3A = vector.broadcast %get3A_47 : vector<1x1024xf32> to vector<1024x1024xf32>
    %sub3A_66 = vector.broadcast %slice3A : vector<1024x1xf32> to vector<1024x1024xf32>
    %sub3A_67 = arith.subf %sub3A, %sub3A_66 : vector<1024x1024xf32>
    %sub3A_68 = vector.broadcast %get3A_52 : vector<1x1024xf32> to vector<1024x1024xf32>
    %sub3A_69 = vector.broadcast %slice3A_64 : vector<1024x1xf32> to vector<1024x1024xf32>
    %sub3A_70 = arith.subf %sub3A_68, %sub3A_69 : vector<1024x1024xf32>
    %sub3A_71 = vector.broadcast %get3A_57 : vector<1x1024xf32> to vector<1024x1024xf32>
    %sub3A_72 = vector.broadcast %slice3A_65 : vector<1024x1xf32> to vector<1024x1024xf32>
    %sub3A_73 = arith.subf %sub3A_71, %sub3A_72 : vector<1024x1024xf32>
    %mul3A_74 = arith.mulf %sub3A_67, %sub3A_67 : vector<1024x1024xf32>
    %mul3A_75 = arith.mulf %sub3A_70, %sub3A_70 : vector<1024x1024xf32>
    %add3A_76 = arith.addf %mul3A_74, %mul3A_75 : vector<1024x1024xf32>
    %mul3A_77 = arith.mulf %sub3A_73, %sub3A_73 : vector<1024x1024xf32>
    %add3A_78 = arith.addf %add3A_76, %mul3A_77 : vector<1024x1024xf32>
    %ge3A = arith.constant -2.98023224E-8 : f32
    %ge3A_79 = vector.broadcast %ge3A : f32 to vector<1024x1024xf32>
    %ge3A_80 = arith.cmpf oge, %sub3A_67, %ge3A_79 : vector<1024x1024xf32>
    %jit3A = arith.constant 4 : i32
    %jit3A_81 = arith.constant 0 : i32
    %broadcast_in_dim3A = vector.broadcast %jit3A : i32 to vector<1024x1024xi32>
    %broadcast_in_dim3A_82 = vector.broadcast %jit3A_81 : i32 to vector<1024x1024xi32>
    %select_n3A = arith.select %ge3A_80, %broadcast_in_dim3A, %broadcast_in_dim3A_82 : vector<1024x1024xi1>, vector<1024x1024xi32>
    %ge3A_83 = arith.constant -2.98023224E-8 : f32
    %ge3A_84 = vector.broadcast %ge3A_83 : f32 to vector<1024x1024xf32>
    %ge3A_85 = arith.cmpf oge, %sub3A_70, %ge3A_84 : vector<1024x1024xf32>
    %jit3A_86 = arith.constant 2 : i32
    %jit3A_87 = arith.constant 0 : i32
    %broadcast_in_dim3A_88 = vector.broadcast %jit3A_86 : i32 to vector<1024x1024xi32>
    %broadcast_in_dim3A_89 = vector.broadcast %jit3A_87 : i32 to vector<1024x1024xi32>
    %select_n3A_90 = arith.select %ge3A_85, %broadcast_in_dim3A_88, %broadcast_in_dim3A_89 : vector<1024x1024xi1>, vector<1024x1024xi32>
    %add3A_91 = arith.addi %select_n3A, %select_n3A_90 : vector<1024x1024xi32>
    %ge3A_92 = arith.constant -2.98023224E-8 : f32
    %ge3A_93 = vector.broadcast %ge3A_92 : f32 to vector<1024x1024xf32>
    %ge3A_94 = arith.cmpf oge, %sub3A_73, %ge3A_93 : vector<1024x1024xf32>
    %jit3A_95 = arith.constant 1 : i32
    %jit3A_96 = arith.constant 0 : i32
    %broadcast_in_dim3A_97 = vector.broadcast %jit3A_95 : i32 to vector<1024x1024xi32>
    %broadcast_in_dim3A_98 = vector.broadcast %jit3A_96 : i32 to vector<1024x1024xi32>
    %select_n3A_99 = arith.select %ge3A_94, %broadcast_in_dim3A_97, %broadcast_in_dim3A_98 : vector<1024x1024xi1>, vector<1024x1024xi32>
    %add3A_100 = arith.addi %add3A_91, %select_n3A_99 : vector<1024x1024xi32>
    %gt3A = arith.constant 1.000000e-10 : f32
    %gt3A_101 = vector.broadcast %gt3A : f32 to vector<1024x1024xf32>
    %gt3A_102 = arith.cmpf ogt, %add3A_78, %gt3A_101 : vector<1024x1024xf32>
    %lt3A = arith.constant 4.000000e-02 : f32
    %lt3A_103 = vector.broadcast %lt3A : f32 to vector<1024x1024xf32>
    %lt3A_104 = arith.cmpf olt, %add3A_78, %lt3A_103 : vector<1024x1024xf32>
    %and3A = arith.andi %gt3A_102, %lt3A_104 : vector<1024x1024xi1>
    %iota3A = tpu.iota {dimensions = array<i32: 1>} : vector<1024x1024xi32>
    %iota3A_105 = tpu.iota {dimensions = array<i32: 0>} : vector<1024x1024xi32>
    %mul3A_106 = arith.constant 1024 : i32
    %mul3A_107 = arith.muli %arg1, %mul3A_106 : i32
    %add3A_108 = vector.broadcast %mul3A_107 : i32 to vector<1024x1024xi32>
    %add3A_109 = arith.addi %iota3A_105, %add3A_108 : vector<1024x1024xi32>
    %eq3A = arith.cmpi eq, %iota3A, %add3A_109 : vector<1024x1024xi32>
    %jit3A_110 = arith.constant 4.000000e-02 : f32
    %jit3A_111 = arith.constant 1.000000e+10 : f32
    %broadcast_in_dim3A_112 = vector.broadcast %jit3A_110 : f32 to vector<1024x1024xf32>
    %broadcast_in_dim3A_113 = vector.broadcast %jit3A_111 : f32 to vector<1024x1024xf32>
    %select_n3A_114 = arith.select %eq3A, %broadcast_in_dim3A_112, %broadcast_in_dim3A_113 : vector<1024x1024xi1>, vector<1024x1024xf32>
    %select_n3A_115 = arith.select %and3A, %add3A_78, %select_n3A_114 : vector<1024x1024xi1>, vector<1024x1024xf32>
    %dot_general3A_116 = arith.constant dense<0.000000e+00> : vector<1024x128xf32>
    %dot_general3A_117 = tpu.matmul %get3A_63, %dot_general3A_10, %dot_general3A_116 {dimension_numbers = #tpu.dot_dimension_numbers<[1], [1], [0], [0], [0, 0, 1, 0], [], []>, precision = #tpu.contract_precision<fp32>, transpose_lhs_hint = false} : vector<1024x3xf32>, vector<128x3xf32>, vector<1024x128xf32> -> vector<1024x128xf32>
    %sub3A_118 = vector.broadcast %add3A_30 : vector<1x128xf32> to vector<1024x128xf32>
    %sub3A_119 = arith.subf %sub3A_118, %dot_general3A_117 : vector<1024x128xf32>
    %swap3A_120 = arith.constant 0 : index
    %swap3A_121 = arith.constant 0 : index
    %swap3A_122 = arith.constant 0 : index
    %swap3A_123 = vector.load %arg12[%swap3A_120, %swap3A_121, %swap3A_122] : memref<1x1024x128xf32, #tpu.memory_space<vmem>>, vector<1x1024x128xf32>
    %swap3A_124 = vector.shape_cast %swap3A_123 : vector<1x1024x128xf32> to vector<1024x128xf32>
    %swap3A_125 = vector.shape_cast %sub3A_119 : vector<1024x128xf32> to vector<1x1024x128xf32>
    tpu.vector_store %arg12[%swap3A_120, %swap3A_121, %swap3A_122], %swap3A_125 {strides = array<i32>} : memref<1x1024x128xf32, #tpu.memory_space<vmem>>, vector<1x1024x128xf32>,
    %mul3A_126 = arith.constant 1024 : i32
    %mul3A_127 = arith.muli %arg0, %mul3A_126 : i32
    %eq3A_128 = arith.constant 0 : i32
    %eq3A_129 = vector.broadcast %eq3A_128 : i32 to vector<1024x1024xi32>
    %eq3A_130 = arith.cmpi eq, %add3A_100, %eq3A_129 : vector<1024x1024xi32>
    %select_n3A_131 = arith.select %eq3A_130, %select_n3A_115, %select_n3A_114 : vector<1024x1024xi1>, vector<1024x1024xf32>
    %reduce_min3A = arith.constant dense<0x7F800000> : vector<1024xf32>
    %reduce_min3A_132 = vector.multi_reduction <minimumf>, %select_n3A_131, %reduce_min3A [1] : vector<1024x1024xf32> to vector<1024xf32>
    %broadcast_in_dim3A_133 = vector.shape_cast %reduce_min3A_132 : vector<1024xf32> to vector<1024x1xf32>
    %eq3A_134 = vector.broadcast %broadcast_in_dim3A_133 : vector<1024x1xf32> to vector<1024x1024xf32>
    %eq3A_135 = arith.cmpf oeq, %select_n3A_131, %eq3A_134 : vector<1024x1024xf32>
    %jit3A_136 = arith.constant 1024 : i32
    %broadcast_in_dim3A_137 = vector.broadcast %jit3A_136 : i32 to vector<1024x1024xi32>
    %select_n3A_138 = arith.select %eq3A_135, %iota3A, %broadcast_in_dim3A_137 : vector<1024x1024xi1>, vector<1024x1024xi32>
    %reduce_min3A_139 = arith.constant dense<2147483647> : vector<1024xi32>
    %reduce_min3A_140 = vector.multi_reduction <minsi>, %select_n3A_138, %reduce_min3A_139 [1] : vector<1024x1024xi32> to vector<1024xi32>
    %broadcast_in_dim3A_141 = vector.shape_cast %reduce_min3A_140 : vector<1024xi32> to vector<1024x1xi32>
    %add3A_142 = vector.broadcast %mul3A_127 : i32 to vector<1024x1xi32>
    %add3A_143 = arith.addi %broadcast_in_dim3A_141, %add3A_142 : vector<1024x1xi32>
    %swap3A_144 = arith.constant 0 : index
    %swap3A_145 = arith.constant 0 : index
    %swap3A_146 = arith.constant 0 : index
    %swap3A_147 = vector.load %arg10[%swap3A_144, %swap3A_145, %swap3A_146] : memref<1x1024x8xi32, #tpu.memory_space<vmem>>, vector<1x1024x1xi32>
    %swap3A_148 = vector.shape_cast %swap3A_147 : vector<1x1024x1xi32> to vector<1024x1xi32>
    %swap3A_149 = vector.shape_cast %add3A_143 : vector<1024x1xi32> to vector<1x1024x1xi32>
    tpu.vector_store %arg10[%swap3A_144, %swap3A_145, %swap3A_146], %swap3A_149 {strides = array<i32>} : memref<1x1024x8xi32, #tpu.memory_space<vmem>>, vector<1x1024x1xi32>,
    %eq3A_150 = arith.constant 1 : i32
    %eq3A_151 = vector.broadcast %eq3A_150 : i32 to vector<1024x1024xi32>
    %eq3A_152 = arith.cmpi eq, %add3A_100, %eq3A_151 : vector<1024x1024xi32>
    %select_n3A_153 = arith.select %eq3A_152, %select_n3A_115, %select_n3A_114 : vector<1024x1024xi1>, vector<1024x1024xf32>
    %reduce_min3A_154 = arith.constant dense<0x7F800000> : vector<1024xf32>
    %reduce_min3A_155 = vector.multi_reduction <minimumf>, %select_n3A_153, %reduce_min3A_154 [1] : vector<1024x1024xf32> to vector<1024xf32>
    %broadcast_in_dim3A_156 = vector.shape_cast %reduce_min3A_155 : vector<1024xf32> to vector<1024x1xf32>
    %eq3A_157 = vector.broadcast %broadcast_in_dim3A_156 : vector<1024x1xf32> to vector<1024x1024xf32>
    %eq3A_158 = arith.cmpf oeq, %select_n3A_153, %eq3A_157 : vector<1024x1024xf32>
    %jit3A_159 = arith.constant 1024 : i32
    %broadcast_in_dim3A_160 = vector.broadcast %jit3A_159 : i32 to vector<1024x1024xi32>
    %select_n3A_161 = arith.select %eq3A_158, %iota3A, %broadcast_in_dim3A_160 : vector<1024x1024xi1>, vector<1024x1024xi32>
    %reduce_min3A_162 = arith.constant dense<2147483647> : vector<1024xi32>
    %reduce_min3A_163 = vector.multi_reduction <minsi>, %select_n3A_161, %reduce_min3A_162 [1] : vector<1024x1024xi32> to vector<1024xi32>
    %broadcast_in_dim3A_164 = vector.shape_cast %reduce_min3A_163 : vector<1024xi32> to vector<1024x1xi32>
    %add3A_165 = vector.broadcast %mul3A_127 : i32 to vector<1024x1xi32>
    %add3A_166 = arith.addi %broadcast_in_dim3A_164, %add3A_165 : vector<1024x1xi32>
    %swap3A_167 = arith.constant 0 : index
    %swap3A_168 = arith.constant 0 : index
    %swap3A_169 = arith.constant 1 : index
    %swap3A_170 = vector.load %arg10[%swap3A_167, %swap3A_168, %swap3A_169] : memref<1x1024x8xi32, #tpu.memory_space<vmem>>, vector<1x1024x1xi32>
    %swap3A_171 = vector.shape_cast %swap3A_170 : vector<1x1024x1xi32> to vector<1024x1xi32>
    %swap3A_172 = vector.shape_cast %add3A_166 : vector<1024x1xi32> to vector<1x1024x1xi32>
    tpu.vector_store %arg10[%swap3A_167, %swap3A_168, %swap3A_169], %swap3A_172 {strides = array<i32>} : memref<1x1024x8xi32, #tpu.memory_space<vmem>>, vector<1x1024x1xi32>,
    %eq3A_173 = arith.constant 2 : i32
    %eq3A_174 = vector.broadcast %eq3A_173 : i32 to vector<1024x1024xi32>
    %eq3A_175 = arith.cmpi eq, %add3A_100, %eq3A_174 : vector<1024x1024xi32>
    %select_n3A_176 = arith.select %eq3A_175, %select_n3A_115, %select_n3A_114 : vector<1024x1024xi1>, vector<1024x1024xf32>
    %reduce_min3A_177 = arith.constant dense<0x7F800000> : vector<1024xf32>
    %reduce_min3A_178 = vector.multi_reduction <minimumf>, %select_n3A_176, %reduce_min3A_177 [1] : vector<1024x1024xf32> to vector<1024xf32>
    %broadcast_in_dim3A_179 = vector.shape_cast %reduce_min3A_178 : vector<1024xf32> to vector<1024x1xf32>
    %eq3A_180 = vector.broadcast %broadcast_in_dim3A_179 : vector<1024x1xf32> to vector<1024x1024xf32>
    %eq3A_181 = arith.cmpf oeq, %select_n3A_176, %eq3A_180 : vector<1024x1024xf32>
    %jit3A_182 = arith.constant 1024 : i32
    %broadcast_in_dim3A_183 = vector.broadcast %jit3A_182 : i32 to vector<1024x1024xi32>
    %select_n3A_184 = arith.select %eq3A_181, %iota3A, %broadcast_in_dim3A_183 : vector<1024x1024xi1>, vector<1024x1024xi32>
    %reduce_min3A_185 = arith.constant dense<2147483647> : vector<1024xi32>
    %reduce_min3A_186 = vector.multi_reduction <minsi>, %select_n3A_184, %reduce_min3A_185 [1] : vector<1024x1024xi32> to vector<1024xi32>
    %broadcast_in_dim3A_187 = vector.shape_cast %reduce_min3A_186 : vector<1024xi32> to vector<1024x1xi32>
    %add3A_188 = vector.broadcast %mul3A_127 : i32 to vector<1024x1xi32>
    %add3A_189 = arith.addi %broadcast_in_dim3A_187, %add3A_188 : vector<1024x1xi32>
    %swap3A_190 = arith.constant 0 : index
    %swap3A_191 = arith.constant 0 : index
    %swap3A_192 = arith.constant 2 : index
    %swap3A_193 = vector.load %arg10[%swap3A_190, %swap3A_191, %swap3A_192] : memref<1x1024x8xi32, #tpu.memory_space<vmem>>, vector<1x1024x1xi32>
    %swap3A_194 = vector.shape_cast %swap3A_193 : vector<1x1024x1xi32> to vector<1024x1xi32>
    %swap3A_195 = vector.shape_cast %add3A_189 : vector<1024x1xi32> to vector<1x1024x1xi32>
    tpu.vector_store %arg10[%swap3A_190, %swap3A_191, %swap3A_192], %swap3A_195 {strides = array<i32>} : memref<1x1024x8xi32, #tpu.memory_space<vmem>>, vector<1x1024x1xi32>,
    %eq3A_196 = arith.constant 3 : i32
    %eq3A_197 = vector.broadcast %eq3A_196 : i32 to vector<1024x1024xi32>
    %eq3A_198 = arith.cmpi eq, %add3A_100, %eq3A_197 : vector<1024x1024xi32>
    %select_n3A_199 = arith.select %eq3A_198, %select_n3A_115, %select_n3A_114 : vector<1024x1024xi1>, vector<1024x1024xf32>
    %reduce_min3A_200 = arith.constant dense<0x7F800000> : vector<1024xf32>
    %reduce_min3A_201 = vector.multi_reduction <minimumf>, %select_n3A_199, %reduce_min3A_200 [1] : vector<1024x1024xf32> to vector<1024xf32>
    %broadcast_in_dim3A_202 = vector.shape_cast %reduce_min3A_201 : vector<1024xf32> to vector<1024x1xf32>
    %eq3A_203 = vector.broadcast %broadcast_in_dim3A_202 : vector<1024x1xf32> to vector<1024x1024xf32>
    %eq3A_204 = arith.cmpf oeq, %select_n3A_199, %eq3A_203 : vector<1024x1024xf32>
    %jit3A_205 = arith.constant 1024 : i32
    %broadcast_in_dim3A_206 = vector.broadcast %jit3A_205 : i32 to vector<1024x1024xi32>
    %select_n3A_207 = arith.select %eq3A_204, %iota3A, %broadcast_in_dim3A_206 : vector<1024x1024xi1>, vector<1024x1024xi32>
    %reduce_min3A_208 = arith.constant dense<2147483647> : vector<1024xi32>
    %reduce_min3A_209 = vector.multi_reduction <minsi>, %select_n3A_207, %reduce_min3A_208 [1] : vector<1024x1024xi32> to vector<1024xi32>
    %broadcast_in_dim3A_210 = vector.shape_cast %reduce_min3A_209 : vector<1024xi32> to vector<1024x1xi32>
    %add3A_211 = vector.broadcast %mul3A_127 : i32 to vector<1024x1xi32>
    %add3A_212 = arith.addi %broadcast_in_dim3A_210, %add3A_211 : vector<1024x1xi32>
    %swap3A_213 = arith.constant 0 : index
    %swap3A_214 = arith.constant 0 : index
    %swap3A_215 = arith.constant 3 : index
    %swap3A_216 = vector.load %arg10[%swap3A_213, %swap3A_214, %swap3A_215] : memref<1x1024x8xi32, #tpu.memory_space<vmem>>, vector<1x1024x1xi32>
    %swap3A_217 = vector.shape_cast %swap3A_216 : vector<1x1024x1xi32> to vector<1024x1xi32>
    %swap3A_218 = vector.shape_cast %add3A_212 : vector<1024x1xi32> to vector<1x1024x1xi32>
    tpu.vector_store %arg10[%swap3A_213, %swap3A_214, %swap3A_215], %swap3A_218 {strides = array<i32>} : memref<1x1024x8xi32, #tpu.memory_space<vmem>>, vector<1x1024x1xi32>,
    %eq3A_219 = arith.constant 4 : i32
    %eq3A_220 = vector.broadcast %eq3A_219 : i32 to vector<1024x1024xi32>
    %eq3A_221 = arith.cmpi eq, %add3A_100, %eq3A_220 : vector<1024x1024xi32>
    %select_n3A_222 = arith.select %eq3A_221, %select_n3A_115, %select_n3A_114 : vector<1024x1024xi1>, vector<1024x1024xf32>
    %reduce_min3A_223 = arith.constant dense<0x7F800000> : vector<1024xf32>
    %reduce_min3A_224 = vector.multi_reduction <minimumf>, %select_n3A_222, %reduce_min3A_223 [1] : vector<1024x1024xf32> to vector<1024xf32>
    %broadcast_in_dim3A_225 = vector.shape_cast %reduce_min3A_224 : vector<1024xf32> to vector<1024x1xf32>
    %eq3A_226 = vector.broadcast %broadcast_in_dim3A_225 : vector<1024x1xf32> to vector<1024x1024xf32>
    %eq3A_227 = arith.cmpf oeq, %select_n3A_222, %eq3A_226 : vector<1024x1024xf32>
    %jit3A_228 = arith.constant 1024 : i32
    %broadcast_in_dim3A_229 = vector.broadcast %jit3A_228 : i32 to vector<1024x1024xi32>
    %select_n3A_230 = arith.select %eq3A_227, %iota3A, %broadcast_in_dim3A_229 : vector<1024x1024xi1>, vector<1024x1024xi32>
    %reduce_min3A_231 = arith.constant dense<2147483647> : vector<1024xi32>
    %reduce_min3A_232 = vector.multi_reduction <minsi>, %select_n3A_230, %reduce_min3A_231 [1] : vector<1024x1024xi32> to vector<1024xi32>
    %broadcast_in_dim3A_233 = vector.shape_cast %reduce_min3A_232 : vector<1024xi32> to vector<1024x1xi32>
    %add3A_234 = vector.broadcast %mul3A_127 : i32 to vector<1024x1xi32>
    %add3A_235 = arith.addi %broadcast_in_dim3A_233, %add3A_234 : vector<1024x1xi32>
    %swap3A_236 = arith.constant 0 : index
    %swap3A_237 = arith.constant 0 : index
    %swap3A_238 = arith.constant 4 : index
    %swap3A_239 = vector.load %arg10[%swap3A_236, %swap3A_237, %swap3A_238] : memref<1x1024x8xi32, #tpu.memory_space<vmem>>, vector<1x1024x1xi32>
    %swap3A_240 = vector.shape_cast %swap3A_239 : vector<1x1024x1xi32> to vector<1024x1xi32>
    %swap3A_241 = vector.shape_cast %add3A_235 : vector<1024x1xi32> to vector<1x1024x1xi32>
    tpu.vector_store %arg10[%swap3A_236, %swap3A_237, %swap3A_238], %swap3A_241 {strides = array<i32>} : memref<1x1024x8xi32, #tpu.memory_space<vmem>>, vector<1x1024x1xi32>,
    %eq3A_242 = arith.constant 5 : i32
    %eq3A_243 = vector.broadcast %eq3A_242 : i32 to vector<1024x1024xi32>
    %eq3A_244 = arith.cmpi eq, %add3A_100, %eq3A_243 : vector<1024x1024xi32>
    %select_n3A_245 = arith.select %eq3A_244, %select_n3A_115, %select_n3A_114 : vector<1024x1024xi1>, vector<1024x1024xf32>
    %reduce_min3A_246 = arith.constant dense<0x7F800000> : vector<1024xf32>
    %reduce_min3A_247 = vector.multi_reduction <minimumf>, %select_n3A_245, %reduce_min3A_246 [1] : vector<1024x1024xf32> to vector<1024xf32>
    %broadcast_in_dim3A_248 = vector.shape_cast %reduce_min3A_247 : vector<1024xf32> to vector<1024x1xf32>
    %eq3A_249 = vector.broadcast %broadcast_in_dim3A_248 : vector<1024x1xf32> to vector<1024x1024xf32>
    %eq3A_250 = arith.cmpf oeq, %select_n3A_245, %eq3A_249 : vector<1024x1024xf32>
    %jit3A_251 = arith.constant 1024 : i32
    %broadcast_in_dim3A_252 = vector.broadcast %jit3A_251 : i32 to vector<1024x1024xi32>
    %select_n3A_253 = arith.select %eq3A_250, %iota3A, %broadcast_in_dim3A_252 : vector<1024x1024xi1>, vector<1024x1024xi32>
    %reduce_min3A_254 = arith.constant dense<2147483647> : vector<1024xi32>
    %reduce_min3A_255 = vector.multi_reduction <minsi>, %select_n3A_253, %reduce_min3A_254 [1] : vector<1024x1024xi32> to vector<1024xi32>
    %broadcast_in_dim3A_256 = vector.shape_cast %reduce_min3A_255 : vector<1024xi32> to vector<1024x1xi32>
    %add3A_257 = vector.broadcast %mul3A_127 : i32 to vector<1024x1xi32>
    %add3A_258 = arith.addi %broadcast_in_dim3A_256, %add3A_257 : vector<1024x1xi32>
    %swap3A_259 = arith.constant 0 : index
    %swap3A_260 = arith.constant 0 : index
    %swap3A_261 = arith.constant 5 : index
    %swap3A_262 = vector.load %arg10[%swap3A_259, %swap3A_260, %swap3A_261] : memref<1x1024x8xi32, #tpu.memory_space<vmem>>, vector<1x1024x1xi32>
    %swap3A_263 = vector.shape_cast %swap3A_262 : vector<1x1024x1xi32> to vector<1024x1xi32>
    %swap3A_264 = vector.shape_cast %add3A_258 : vector<1024x1xi32> to vector<1x1024x1xi32>
    tpu.vector_store %arg10[%swap3A_259, %swap3A_260, %swap3A_261], %swap3A_264 {strides = array<i32>} : memref<1x1024x8xi32, #tpu.memory_space<vmem>>, vector<1x1024x1xi32>,
    %eq3A_265 = arith.constant 6 : i32
    %eq3A_266 = vector.broadcast %eq3A_265 : i32 to vector<1024x1024xi32>
    %eq3A_267 = arith.cmpi eq, %add3A_100, %eq3A_266 : vector<1024x1024xi32>
    %select_n3A_268 = arith.select %eq3A_267, %select_n3A_115, %select_n3A_114 : vector<1024x1024xi1>, vector<1024x1024xf32>
    %reduce_min3A_269 = arith.constant dense<0x7F800000> : vector<1024xf32>
    %reduce_min3A_270 = vector.multi_reduction <minimumf>, %select_n3A_268, %reduce_min3A_269 [1] : vector<1024x1024xf32> to vector<1024xf32>
    %broadcast_in_dim3A_271 = vector.shape_cast %reduce_min3A_270 : vector<1024xf32> to vector<1024x1xf32>
    %eq3A_272 = vector.broadcast %broadcast_in_dim3A_271 : vector<1024x1xf32> to vector<1024x1024xf32>
    %eq3A_273 = arith.cmpf oeq, %select_n3A_268, %eq3A_272 : vector<1024x1024xf32>
    %jit3A_274 = arith.constant 1024 : i32
    %broadcast_in_dim3A_275 = vector.broadcast %jit3A_274 : i32 to vector<1024x1024xi32>
    %select_n3A_276 = arith.select %eq3A_273, %iota3A, %broadcast_in_dim3A_275 : vector<1024x1024xi1>, vector<1024x1024xi32>
    %reduce_min3A_277 = arith.constant dense<2147483647> : vector<1024xi32>
    %reduce_min3A_278 = vector.multi_reduction <minsi>, %select_n3A_276, %reduce_min3A_277 [1] : vector<1024x1024xi32> to vector<1024xi32>
    %broadcast_in_dim3A_279 = vector.shape_cast %reduce_min3A_278 : vector<1024xi32> to vector<1024x1xi32>
    %add3A_280 = vector.broadcast %mul3A_127 : i32 to vector<1024x1xi32>
    %add3A_281 = arith.addi %broadcast_in_dim3A_279, %add3A_280 : vector<1024x1xi32>
    %swap3A_282 = arith.constant 0 : index
    %swap3A_283 = arith.constant 0 : index
    %swap3A_284 = arith.constant 6 : index
    %swap3A_285 = vector.load %arg10[%swap3A_282, %swap3A_283, %swap3A_284] : memref<1x1024x8xi32, #tpu.memory_space<vmem>>, vector<1x1024x1xi32>
    %swap3A_286 = vector.shape_cast %swap3A_285 : vector<1x1024x1xi32> to vector<1024x1xi32>
    %swap3A_287 = vector.shape_cast %add3A_281 : vector<1024x1xi32> to vector<1x1024x1xi32>
    tpu.vector_store %arg10[%swap3A_282, %swap3A_283, %swap3A_284], %swap3A_287 {strides = array<i32>} : memref<1x1024x8xi32, #tpu.memory_space<vmem>>, vector<1x1024x1xi32>,
    %eq3A_288 = arith.constant 7 : i32
    %eq3A_289 = vector.broadcast %eq3A_288 : i32 to vector<1024x1024xi32>
    %eq3A_290 = arith.cmpi eq, %add3A_100, %eq3A_289 : vector<1024x1024xi32>
    %select_n3A_291 = arith.select %eq3A_290, %select_n3A_115, %select_n3A_114 : vector<1024x1024xi1>, vector<1024x1024xf32>
    %reduce_min3A_292 = arith.constant dense<0x7F800000> : vector<1024xf32>
    %reduce_min3A_293 = vector.multi_reduction <minimumf>, %select_n3A_291, %reduce_min3A_292 [1] : vector<1024x1024xf32> to vector<1024xf32>
    %broadcast_in_dim3A_294 = vector.shape_cast %reduce_min3A_293 : vector<1024xf32> to vector<1024x1xf32>
    %eq3A_295 = vector.broadcast %broadcast_in_dim3A_294 : vector<1024x1xf32> to vector<1024x1024xf32>
    %eq3A_296 = arith.cmpf oeq, %select_n3A_291, %eq3A_295 : vector<1024x1024xf32>
    %jit3A_297 = arith.constant 1024 : i32
    %broadcast_in_dim3A_298 = vector.broadcast %jit3A_297 : i32 to vector<1024x1024xi32>
    %select_n3A_299 = arith.select %eq3A_296, %iota3A, %broadcast_in_dim3A_298 : vector<1024x1024xi1>, vector<1024x1024xi32>
    %reduce_min3A_300 = arith.constant dense<2147483647> : vector<1024xi32>
    %reduce_min3A_301 = vector.multi_reduction <minsi>, %select_n3A_299, %reduce_min3A_300 [1] : vector<1024x1024xi32> to vector<1024xi32>
    %broadcast_in_dim3A_302 = vector.shape_cast %reduce_min3A_301 : vector<1024xi32> to vector<1024x1xi32>
    %add3A_303 = vector.broadcast %mul3A_127 : i32 to vector<1024x1xi32>
    %add3A_304 = arith.addi %broadcast_in_dim3A_302, %add3A_303 : vector<1024x1xi32>
    %swap3A_305 = arith.constant 0 : index
    %swap3A_306 = arith.constant 0 : index
    %swap3A_307 = arith.constant 7 : index
    %swap3A_308 = vector.load %arg10[%swap3A_305, %swap3A_306, %swap3A_307] : memref<1x1024x8xi32, #tpu.memory_space<vmem>>, vector<1x1024x1xi32>
    %swap3A_309 = vector.shape_cast %swap3A_308 : vector<1x1024x1xi32> to vector<1024x1xi32>
    %swap3A_310 = vector.shape_cast %add3A_304 : vector<1024x1xi32> to vector<1x1024x1xi32>
    tpu.vector_store %arg10[%swap3A_305, %swap3A_306, %swap3A_307], %swap3A_310 {strides = array<i32>} : memref<1x1024x8xi32, #tpu.memory_space<vmem>>, vector<1x1024x1xi32>,
    return
  }
  func.func @transform_0(%arg0: i32, %arg1: i32) -> (i32, i32, i32) {
    %c0_i32 = arith.constant 0 : i32
    %c0_i32_0 = arith.constant 0 : i32
    %c0_i32_1 = arith.constant 0 : i32
    return %arg0, %c0_i32, %c0_i32_0 : i32, i32, i32
  }
  func.func @transform_1(%arg0: i32, %arg1: i32) -> (i32, i32, i32) {
    %c0_i32 = arith.constant 0 : i32
    %c0_i32_0 = arith.constant 0 : i32
    %c0_i32_1 = arith.constant 0 : i32
    return %arg0, %c0_i32, %c0_i32_0 : i32, i32, i32
  }
  func.func @transform_2(%arg0: i32, %arg1: i32) -> (i32, i32) {
    %c0_i32 = arith.constant 0 : i32
    %c0_i32_0 = arith.constant 0 : i32
    %c0_i32_1 = arith.constant 0 : i32
    return %c0_i32, %c0_i32_0 : i32, i32
  }
  func.func @transform_3(%arg0: i32, %arg1: i32) -> (i32, i32) {
    %c0_i32 = arith.constant 0 : i32
    %c0_i32_0 = arith.constant 0 : i32
    %c0_i32_1 = arith.constant 0 : i32
    return %c0_i32, %c0_i32_0 : i32, i32
  }
  func.func @transform_4(%arg0: i32, %arg1: i32) -> (i32, i32) {
    %c0_i32 = arith.constant 0 : i32
    %c0_i32_0 = arith.constant 0 : i32
    %c0_i32_1 = arith.constant 0 : i32
    return %c0_i32, %c0_i32_0 : i32, i32
  }
  func.func @transform_5(%arg0: i32, %arg1: i32) -> (i32, i32) {
    %c0_i32 = arith.constant 0 : i32
    %c0_i32_0 = arith.constant 0 : i32
    %c0_i32_1 = arith.constant 0 : i32
    return %c0_i32, %c0_i32_0 : i32, i32
  }
  func.func @transform_6(%arg0: i32, %arg1: i32) -> (i32, i32) {
    %c0_i32 = arith.constant 0 : i32
    %c0_i32_0 = arith.constant 0 : i32
    %c0_i32_1 = arith.constant 0 : i32
    return %c0_i32, %c0_i32_0 : i32, i32
  }
  func.func @transform_7(%arg0: i32, %arg1: i32) -> (i32, i32) {
    %c0_i32 = arith.constant 0 : i32
    %c0_i32_0 = arith.constant 0 : i32
    %c0_i32_1 = arith.constant 0 : i32
    return %c0_i32, %c0_i32_0 : i32, i32
  }
  func.func @transform_8(%arg0: i32, %arg1: i32) -> (i32, i32, i32) {
    %c0_i32 = arith.constant 0 : i32
    %c0_i32_0 = arith.constant 0 : i32
    return %arg0, %arg1, %c0_i32 : i32, i32, i32
  }
  func.func @transform_9(%arg0: i32, %arg1: i32) -> (i32, i32, i32) {
    %c0_i32 = arith.constant 0 : i32
    %c0_i32_0 = arith.constant 0 : i32
    %c0_i32_1 = arith.constant 0 : i32
    return %arg0, %c0_i32, %c0_i32_0 : i32, i32, i32
  }
  func.func @transform_10(%arg0: i32, %arg1: i32) -> (i32, i32, i32) {
    %c0_i32 = arith.constant 0 : i32
    %c0_i32_0 = arith.constant 0 : i32
    return %arg0, %arg1, %c0_i32 : i32, i32, i32
  }
}

</mosaic_0001>

<sc_bundles>
// kernel: kernel.4.cloned.1.call-start
scs
__scs_entry_jumppad:
0x0: {  	(pc) =	sbr.rel $0x88, $3  }
0x1: {  	(tag) =	ssettag $0x0;
	lr =	simm.s32 $0x1  }
0x2: {  	[smem:$0x3F9A] =	sst lr;
	_ =	strace $0xD0000000  }
0x3: {  	_ = 	snop  }
0x4: {  	_ = 	snop  }
0x5: {  	_ = 	snop  }
0x6: {  	_ = 	snop  }
0x7: {  	_ = 	snop  }
__scs_overlays_trampoline_lowered:
0x8: {  	[smem:$0x3FA9] =	sst s0  }
0x9: {  	[smem:$0x3FAA] =	sst s1  }
0xa: {  	[smem:$0x3FAB] =	sst s2  }
0xb: {  	[smem:$0x3FAC] =	sst s3  }
0xc: {  	[smem:$0x3FAD] =	sst s4  }
0xd: {  	[smem:$0x3FAE] =	sst s5  }
0xe: {  	[smem:$0x3FAF] =	sst s6  }
0xf: {  	[smem:$0x3FB0] =	sst s7  }
0x10: {  	[smem:$0x3FB1] =	sst s8  }
0x11: {  	[smem:$0x3FB2] =	sst s9;
	s0 =	simm.s32 @!p0 $0x0  }
0x12: {  	s1 =	sld [smem:$0x3F98];
	s0 =	simm.s32 @p0 $0x1  }
0x13: {  	[smem:$0x3FB3] =	sst s0;
	s0 =	simm.s32 @!p1 $0x0  }
0x14: {  	s2 =	sld [smem:$0x3F97];
	s0 =	simm.s32 @p1 $0x1  }
0x15: {  	[smem:$0x3FB4] =	sst s0;
	s0 =	simm.s32 @!p2 $0x0  }
0x16: {  	s3 =	sld [smem:$0x3FDB];
	s0 =	simm.s32 @p2 $0x1  }
0x17: {  	s4 =	simm.s32 $0x1BF5;
	[smem:$0x3FB6] =	sst s0  }
0x18: {  	s0 =	sld [smem:$0x3F99];
	_ =	swait.ge [sflag:s4], $0x0  }
0x19: {  	s7 =	sld [smem:$0x3F9A]  }
0x1a: {  	s8 =	sadd.s32 $0xFFFFE003, lr  }
0x1b: {  	s9 =	sadd.s32 $0xFFFFFEF7, lr;
	s5 =	simm.s32 $0xFFFFFFFF;
	p2 =	slt.u32 s8, $0xFFFFF086  }
0x1c: {  	p1 =	slt.u32 s9, $0xF7A;
	s5 =	simm.s32 @!p2 $0x0  }
0x1d: {  	s5 =	simm.s32 @p1 $0x1;
	p0 =	seq.s32 s7, s2  }
0x1e: {  	s7 =	smul.u32 @!p0 $0xF7A, s2;
	p2 =	seq.s32 @!p0 s5, $0x0  }
0x1f: {  	s9 =	smul.u32 $0xF7A, s1;
	s8 =	simm.s32 @!p0 $0x1BF5;
	p2 =	por !p2, p0  }
0x20: {  	[sflag:s8] =	ssyncset.s32 @!p0 $0xFFFFF086;
	s6 =	sadd.s32 @!p0 s3, s7;
	s7 =	simm.s32 @!p0 $0x108  }
0x21: {  	s3 =	sadd.s32 s3, s9;
	s6 =	sadd.s32 @!p0 $0x88, s6;
	s7 =	simm.s32 @p2 $0x1082  }
0x22: {  	[simem:s7], [sflag:s8] =	dma.local @!p0 [hbm:s6], $0xF7A  }
0x23: {  	s9 =	sor.u32 $0xD0000000, s2;
	s6 =	simm.s32 $0x108;
	_ =	swait.ge @!p0 [sflag:s8], $0x0  }
0x24: {  	s3 =	sadd.s32 $0x88, s3;
	s6 =	simm.s32 @!p1 $0x1082;
	[sflag:s4] =	ssyncset.s32 $0xFFFFF086  }
0x25: {  	[simem:s6], [sflag:s4] =	dma.local [hbm:s3], $0xF7A  }
0x26: {  	[smem:$0x3F9A] =	sst s1;
	(tag) =	ssettag s2;
	_ =	strace s9  }
0x27: {  	s1 =	sld [smem:$0x3FAA]  }
0x28: {  	s2 =	sld [smem:$0x3FAB]  }
0x29: {  	s4 =	sld [smem:$0x3FAD]  }
0x2a: {  	p0 =	seq.s32 s5, $0x0;
	s5 =	sld [smem:$0x3FAE]  }
0x2b: {  	s6 =	sld [smem:$0x3FAF]  }
0x2c: {  	s7 =	sld [smem:$0x3FB0]  }
0x2d: {  	s3 =	simm.s32 $0x108;
	s8 =	sld [smem:$0x3FB1]  }
0x2e: {  	s3 =	simm.s32 @!p0 $0x1082;
	s9 =	sld [smem:$0x3FB2]  }
0x2f: {  	lr =	sadd.s32 s0, s3;
	s0 =	sld [smem:$0x3FA9]  }
0x30: {  	s3 =	sld [smem:$0x3FAC]  }
0x31: {  	[smem:$0x3FB5] =	sst s10  }
0x32: {  	s10 =	sld [smem:$0x3FB3];
	_ =	sdelay $0x3  }
0x33: {  	p0 =	seq.s32 s10, $0x1;
	s10 =	sld [smem:$0x3FB5];
	_ =	sdelay $0x3  }
0x34: {  	[smem:$0x3FB5] =	sst s10  }
0x35: {  	s10 =	sld [smem:$0x3FB4];
	_ =	sdelay $0x3  }
0x36: {  	p1 =	seq.s32 s10, $0x1;
	s10 =	sld [smem:$0x3FB5];
	_ =	sdelay $0x3  }
0x37: {  	[smem:$0x3FB5] =	sst s10  }
0x38: {  	s10 =	sld [smem:$0x3FB6]  }
0x39: {  	_ = 	snop;
	(pc) =	sbr.ind lr, $3  }
0x3a: {  	_ = 	snop  }
0x3b: {  	_ = 	snop  }
0x3c: {  	p2 =	seq.s32 s10, $0x1;
	s10 =	sld [smem:$0x3FB5]  }
0x3d: {  	_ =	shalt  }
0x3e: {  	_ =	shalt  }
0x3f: {  	_ =	shalt  }
0x40: {  	_ =	shalt  }
0x41: {  	_ =	shalt  }
0x42: {  	_ =	shalt  }
0x43: {  	_ =	shalt  }
0x44: {  	_ =	shalt  }
0x45: {  	_ =	shalt  }
0x46: {  	_ =	shalt  }
0x47: {  	_ =	shalt  }
0x48: {  	_ =	shalt  }
0x49: {  	_ =	shalt  }
0x4a: {  	_ =	shalt  }
0x4b: {  	_ =	shalt  }
0x4c: {  	_ =	shalt  }
0x4d: {  	_ =	shalt  }
0x4e: {  	_ =	shalt  }
0x4f: {  	_ =	shalt  }
0x50: {  	_ =	shalt  }
0x51: {  	_ =	shalt  }
0x52: {  	_ =	shalt  }
0x53: {  	_ =	shalt  }
0x54: {  	_ =	shalt  }
0x55: {  	_ =	shalt  }
0x56: {  	_ =	shalt  }
0x57: {  	_ =	shalt  }
0x58: {  	_ =	shalt  }
0x59: {  	_ =	shalt  }
0x5a: {  	_ =	shalt  }
0x5b: {  	_ =	shalt  }
0x5c: {  	_ =	shalt  }
0x5d: {  	_ =	shalt  }
0x5e: {  	_ =	shalt  }
0x5f: {  	_ =	shalt  }
0x60: {  	_ =	shalt  }
0x61: {  	_ =	shalt  }
0x62: {  	_ =	shalt  }
0x63: {  	_ =	shalt  }
0x64: {  	_ =	shalt  }
0x65: {  	_ =	shalt  }
0x66: {  	_ =	shalt  }
0x67: {  	_ =	shalt  }
0x68: {  	_ =	shalt  }
0x69: {  	_ =	shalt  }
0x6a: {  	_ =	shalt  }
0x6b: {  	_ =	shalt  }
0x6c: {  	_ =	shalt  }
0x6d: {  	_ =	shalt  }
0x6e: {  	_ =	shalt  }
0x6f: {  	_ =	shalt  }
0x70: {  	_ =	shalt  }
0x71: {  	_ =	shalt  }
0x72: {  	_ =	shalt  }
0x73: {  	_ =	shalt  }
0x74: {  	_ =	shalt  }
0x75: {  	_ =	shalt  }
0x76: {  	_ =	shalt  }
0x77: {  	_ =	shalt  }
0x78: {  	_ =	shalt  }
0x79: {  	_ =	shalt  }
0x7a: {  	_ =	shalt  }
0x7b: {  	_ =	shalt  }
0x7c: {  	_ =	shalt  }
0x7d: {  	_ =	shalt  }
0x7e: {  	_ =	shalt  }
0x7f: {  	_ =	shalt  }
0x80: {  	_ =	shalt  }
0x81: {  	_ =	shalt  }
0x82: {  	_ =	shalt  }
0x83: {  	_ =	shalt  }
0x84: {  	_ =	shalt  }
0x85: {  	_ =	shalt  }
0x86: {  	_ =	shalt  }
0x87: {  	_ =	shalt  }
.Lfunc_end0:
.L_simem_size_0:
called_computation_lowered:
.L_overlay_start_0:
0x88: {  	s2 =	sld [smem:$0x3FD9]  }
0x89: {  	s3 =	sld [smem:$0x3FFE];
	_ =	sdelay $0x1  }
0x8a: {  	s1 =	srdreg.scid  }
0x8b: {  	s0 =	sand.u32 $0x1, s1  }
0x8c: {  	s17 =	sshll.u32 s0, $0xA;
	s2 =	sadd.s32 s3, s2  }
0x8d: {  	s2 =	sadd.s32 s2, s17  }
0x8e: {  	[smem:$0x3FC1] =	sst s2  }
0x8f: {  	_ = 	snop  }
0x90: {  	s2 =	sld [smem:$0x3FD0];
	(tm) =	ssettm $0x1  }
0x91: {  	s18 =	sld [smem:$0x3FFB];
	_ =	sdelay $0x3  }
0x92: {  	_ =	strace s18  }
0x93: {  	s3 =	sld [smem:$0x3FFC];
	_ =	sdelay $0x3  }
0x94: {  	_ =	strace s3  }
0x95: {  	s3 =	sld [smem:$0x3FFD];
	_ =	sdelay $0x3  }
0x96: {  	_ =	strace s3  }
0x97: {  	_ =	strace $0x8FFFFFFF  }
0x98: {  	s19 =	sld [smem:$0x3FDB];
	_ =	sdelay $0x1  }
0x99: {  	s4 =	simm.s32 $_scs_section_size  }
0x9a: {  	s5 =	simm.s32 $_size__tile_overlayer_lowered;
	s6 =	simm.s32 $_tile_overlayer_lowered  }
0x9b: {  	s22 =	simm.s32 $0x1BFF;
	s21 =	sshll.u32 s6, $0x1;
	s3 =	sadd.s32 s4, s19  }
0x9c: {  	s7 =	simm.s32 $0x0;
	s20 =	sshll.u32 s5, $0x1;
	s5 =	sadd.s32 s21, s3  }
0x9d: {  	[timem:s7], [sflag:s22] =	dma.local [hbm:s5], s20  }
0x9e: {  	_ =	swait.ge [sflag:s22], s20  }
0x9f: {  	s4 =	ssub.s32 $0x0, s20;
	[sflag:s22] =	ssyncset.done $0x0  }
0xa0: {  	[sflag:s22] =	ssyncadd.s32 s4;
	_ =	sdelay $0x1  }
0xa1: {  	s23 =	simm.s32 $0x1B8B  }
0xa2: {  	_ =	swait.ge [sflag:s23], $0x1  }
0xa3: {  	[sflag:s23] =	ssyncset.done $0x0  }
0xa4: {  	s25 =	simm.s32 $0x1B8E;
	s24 =	sld [smem:$0x3FFE];
	[sflag:s23] =	ssyncadd.s32 $0xFFFFFFFF  }
0xa5: {  	s26 =	simm.s32 $execute0_lowered;
	[smem:$0x3FD2] =	sst s25  }
0xa6: {  	s5 =	sshll.u32 s26, $0x1;
	_ =	strace $0x80000046;
	[dreg:$0x1] =	wrdreg $0xFFFFFFFF  }
0xa7: {  	s28 =	simm.s32 $_size_execute0_lowered;
	s3 =	sadd.s32 s3, s5;
	[dreg:$0x0] =	wrdreg $0x0  }
0xa8: {  	s5 =	sshll.u32 s28, $0x1;
	[dreg:$0x2] =	wrdreg s3  }
0xa9: {  	[dreg:$0x3] =	wrdreg s5  }
0xaa: {  	[dreg:$0x4] =	wrdreg $0xC0  }
0xab: {  	_ =	task [dreg:s7], $0x5FFFF  }
0xac: {  	[dreg:$0x1] =	wrdreg $0xFFFFFFFF  }
0xad: {  	[dreg:$0x0] =	wrdreg $0x60  }
0xae: {  	[dreg:$0x2] =	wrdreg s24  }
0xaf: {  	[dreg:$0x3] =	wrdreg s2  }
0xb0: {  	[dreg:$0x4] =	wrdreg $0x9  }
0xb1: {  	_ =	task.clear_ibuf [dreg:s7], $0x5FFFF;
	_ =	strace $0x90000046  }
0xb2: {  	s29 =	simm.s32 $0x9;
	_ =	strace $0x80000048  }
0xb3: {  	_ =	swait.ge [sflag:s29], $0x1  }
0xb4: {  	[sflag:s29] =	ssyncadd.s32 $0xFFFFFFFF  }
0xb5: {  	_ =	strace $0x90000048  }
0xb6: {  	_ =	sfence  }
0xb7: {  	s30 =	sld [smem:$0x0];
	_ =	sdelay $0x2  }
0xb8: {  	s31 =	sshll.u32 s1, $0xD;
	s1 =	sshrl.u32 s1, $0x2  }
0xb9: {  	s3 =	sand.u32 $0x4000, s31;
	s1 =	sadd.s32 s1, s30  }
0xba: {  	s0 =	sor.u32 s3, s0;
	s1 =	sshll.u32 s1, $0x11  }
0xbb: {  	s0 =	sor.u32 s1, s0  }
0xbc: {  	s0 =	sadd.s32 $0x8F2B, s0  }
0xbd: {  	[sflag:s0] =	ssyncadd.remote.s32 $0x1  }
0xbe: {  	_ =	sfence.sel $0xFFFF  }
0xbf: {  	[dreg:$0x0] =	wrdreg $0xFFFFFFFF;
	(pc) =	sbr.abs _section_cstart, $3  }
0xc0: {  	[dreg:$0x1] =	wrdreg $0xFFFFFFFF  }
0xc1: {  	_ =	task.clear_ibuf [dreg:s7], $0x2FFFF;
	_ =	strace $0x9FFFFFFF  }
0xc2: {  	(tm) =	ssettm $0x7FFFFFFF  }
0xc3: {  	_ =	shalt  }
tec
execute0_lowered:
.L_overlay_start_1:
0x0: {  	(tag) =	ssettag $0x1  }
0x1: {  	s6 =	rddreg [dreg:$0x0]  }
0x2: {  	s1 =	rddreg [dreg:$0x1]  }
0x3: {  	s0 =	rddreg [dreg:$0x2];
	s2 =	simm.s32 $0x0  }
0x4: {  	s3 =	srdreg.scid;
	s10 =	simm.s32 $0x4080;
	s11 =	simm.s32 $0x80  }
0x5: {  	s12 =	simm.s32 $0x1;
	s13 =	simm.s32 $0x4880;
	s14 =	simm.s32 $0x0  }
0x6: {  	[smem:$0x7FF] =	sst s2;
	s7 =	sand.u32 $0x1, s3;
	s4 =	sadd.s32 $0x21400, s6  }
0x7: {  	s5 =	sadd.s32 $0x1400, s6;
	s3 =	stileid.u32;
	s8 =	ssub.s32 $0x2, s7  }
0x8: {  	s6 =	sadd.s32 $0x41400, s6;
	_ =	strace $0x80000047;
	s9 =	sshrl.u32 s8, $0x1  }
0x9: {  	s31 =	sshll.u32 s3, $0x9;
	s7 =	sshll.u32 s7, $0x8;
	s8 =	ssub.s32 s8, s9  }
0xa: {  	s7 =	sor.u32 s7, s31;
	s9 =	simm.s32 $0x2;
	s8 =	smax.u32 s8, $0x1  }
.LBB2_1:
0xb: {  	s15 =	simm.s32 $0x0  }
.LBB2_2:
0xc: {  	s16 =	sshll.u32 s15, $0x4  }
0xd: {  	s16 =	sadd.s32 s7, s16  }
0xe: {  	s17 =	simm.s32 $0x0;
	s18 =	sadd.s32 s6, s16  }
0xf: {  	[tilespmem:s17], [sflag:$0x2] =	stream.linear.gather [hbm4b:s18+s17], $0x80, $0x38;
	[tilespmem:$0xB880] =	vst v63  }
0x10: {  	_ =	swait.ge [sflag:s9], $0x80  }
0x11: {  	s31 =	sshll.u32 s16, $0x4;
	[sflag:s9] =	ssyncset.done $0x0  }
0x12: {  	s18 =	sadd.s32 s5, s31;
	[sflag:s9] =	ssyncadd.s32 $0xFFFFFF80  }
0x13: {  	[tilespmem:s10], [sflag:$0x2] =	stream.linear.gather [hbm4b:s18+s17], $0x800, $0x38;
	[tilespmem:$0xB880] =	vst v63  }
0x14: {  	_ =	swait.ge [sflag:s9], $0x800  }
0x15: {  	[sflag:s9] =	ssyncset.done $0x0  }
0x16: {  	[sflag:s9] =	ssyncadd.s32 $0xFFFFF800  }
0x17: {  	[tilespmem:s11], [sflag:$0x1] =	stream.indirect.gather [hbm4b:s4+s11], $0x80, s17, s11, $0xb8;
	[tilespmem:$0xB880] =	vst v63  }
0x18: {  	_ =	swait.ge [sflag:s12], $0x4000  }
0x19: {  	s19 =	simm.s32 $0x40C0;
	[sflag:s12] =	ssyncset.done $0x0  }
0x1a: {  	s20 =	simm.s32 $0x0;
	s18 =	simm.s32 $0x280;
	[sflag:s12] =	ssyncadd.s32 $0xFFFFC000  }
.LBB2_3:
0x1b: {  	v0 =	vld [tilespmem:s19+$0xFFFFFFC0]  }
0x1c: {  	v1 =	vld [tilespmem:s18+$0xFFFFFE00]  }
0x1d: {  	v2 =	vld [tilespmem:s18+$0xFFFFFE80]  }
0x1e: {  	v3 =	vld [tilespmem:s18+$0xFFFFFF00];
	s21 =	sshrl.u32 s20, $0x3  }
0x1f: {  	v4 =	vld [tilespmem:s18+$0xFFFFFF80];
	s21 =	smul.u32 $0xE000, s21  }
0x20: {  	v5 =	vld [tilespmem:s18+$0x0]  }
0x21: {  	v6 =	vld [tilespmem:s18+$0x80];
	s22 =	sand.u32 $0x380, s17;
	s21 =	sshra.s32 s21, $0x2;
	v1 =	vadd.f32 v1, v0  }
0x22: {  	v7 =	vld [tilespmem:s18+$0x100];
	s21 =	sor.u32 s22, s21;
	v2 =	vadd.f32 v2, v0  }
0x23: {  	v8 =	vld [tilespmem:s18+$0x180];
	v3 =	vadd.f32 v3, v0;
	[tilespmem:s21+$0x6080] =	vst v1  }
0x24: {  	v4 =	vadd.f32 v4, v0;
	[tilespmem:s21+$0x6480] =	vst v2  }
0x25: {  	v5 =	vadd.f32 v5, v0;
	[tilespmem:s21+$0x6880] =	vst v3  }
0x26: {  	v6 =	vadd.f32 v6, v0;
	[tilespmem:s21+$0x6C80] =	vst v4  }
0x27: {  	v7 =	vadd.f32 v7, v0;
	[tilespmem:s21+$0x7080] =	vst v5  }
0x28: {  	v0 =	vadd.f32 v8, v0;
	[tilespmem:s21+$0x7480] =	vst v6  }
0x29: {  	[tilespmem:s21+$0x7880] =	vst v7  }
0x2a: {  	v21 =	vmax.f32 v1, v2;
	[tilespmem:s21+$0x7C80] =	vst v0  }
0x2b: {  	v9 =	vmax.f32 v3, v4;
	[tilespmem:s21+$0x5080] =	vst v21  }
0x2c: {  	v10 =	vmax.f32 v5, v6;
	[tilespmem:s21+$0x5480] =	vst v9  }
0x2d: {  	v11 =	vmax.f32 v7, v0;
	[tilespmem:s21+$0x5880] =	vst v10  }
0x2e: {  	v12 =	vmax.f32 v21, v9;
	[tilespmem:s21+$0x5C80] =	vst v11  }
0x2f: {  	v13 =	vmax.f32 v10, v11;
	[tilespmem:s21+$0x4880] =	vst v12  }
0x30: {  	[tilespmem:s21+$0x4C80] =	vst v13  }
0x31: {  	v0 =	vld [tilespmem:s19+$0xFFFFFFD0]  }
0x32: {  	v1 =	vld [tilespmem:s18+$0xFFFFFE10]  }
0x33: {  	v2 =	vld [tilespmem:s18+$0xFFFFFE90]  }
0x34: {  	v3 =	vld [tilespmem:s18+$0xFFFFFF10]  }
0x35: {  	v4 =	vld [tilespmem:s18+$0xFFFFFF90]  }
0x36: {  	v5 =	vld [tilespmem:s18+$0x10]  }
0x37: {  	v6 =	vld [tilespmem:s18+$0x90];
	v1 =	vadd.f32 v1, v0  }
0x38: {  	v7 =	vld [tilespmem:s18+$0x110];
	v2 =	vadd.f32 v2, v0  }
0x39: {  	v8 =	vld [tilespmem:s18+$0x190];
	v3 =	vadd.f32 v3, v0;
	[tilespmem:s21+$0x6090] =	vst v1  }
0x3a: {  	v4 =	vadd.f32 v4, v0;
	[tilespmem:s21+$0x6490] =	vst v2  }
0x3b: {  	v5 =	vadd.f32 v5, v0;
	[tilespmem:s21+$0x6890] =	vst v3  }
0x3c: {  	v6 =	vadd.f32 v6, v0;
	[tilespmem:s21+$0x6C90] =	vst v4  }
0x3d: {  	v7 =	vadd.f32 v7, v0;
	[tilespmem:s21+$0x7090] =	vst v5  }
0x3e: {  	v0 =	vadd.f32 v8, v0;
	[tilespmem:s21+$0x7490] =	vst v6  }
0x3f: {  	[tilespmem:s21+$0x7890] =	vst v7  }
0x40: {  	v22 =	vmax.f32 v1, v2;
	[tilespmem:s21+$0x7C90] =	vst v0  }
0x41: {  	v23 =	vmax.f32 v3, v4;
	[tilespmem:s21+$0x5090] =	vst v22  }
0x42: {  	v24 =	vmax.f32 v5, v6;
	[tilespmem:s21+$0x5490] =	vst v23  }
0x43: {  	v25 =	vmax.f32 v7, v0;
	[tilespmem:s21+$0x5890] =	vst v24  }
0x44: {  	v26 =	vmax.f32 v22, v23;
	[tilespmem:s21+$0x5C90] =	vst v25  }
0x45: {  	v27 =	vmax.f32 v24, v25;
	[tilespmem:s21+$0x4890] =	vst v26  }
0x46: {  	[tilespmem:s21+$0x4C90] =	vst v27  }
0x47: {  	v0 =	vld [tilespmem:s19+$0xFFFFFFE0]  }
0x48: {  	v1 =	vld [tilespmem:s18+$0xFFFFFE20]  }
0x49: {  	v2 =	vld [tilespmem:s18+$0xFFFFFEA0]  }
0x4a: {  	v3 =	vld [tilespmem:s18+$0xFFFFFF20]  }
0x4b: {  	v4 =	vld [tilespmem:s18+$0xFFFFFFA0]  }
0x4c: {  	v5 =	vld [tilespmem:s18+$0x20]  }
0x4d: {  	v6 =	vld [tilespmem:s18+$0xA0];
	v1 =	vadd.f32 v1, v0  }
0x4e: {  	v7 =	vld [tilespmem:s18+$0x120];
	v2 =	vadd.f32 v2, v0  }
0x4f: {  	v8 =	vld [tilespmem:s18+$0x1A0];
	v3 =	vadd.f32 v3, v0;
	[tilespmem:s21+$0x60A0] =	vst v1  }
0x50: {  	v4 =	vadd.f32 v4, v0;
	[tilespmem:s21+$0x64A0] =	vst v2  }
0x51: {  	v5 =	vadd.f32 v5, v0;
	[tilespmem:s21+$0x68A0] =	vst v3  }
0x52: {  	v6 =	vadd.f32 v6, v0;
	[tilespmem:s21+$0x6CA0] =	vst v4  }
0x53: {  	v7 =	vadd.f32 v7, v0;
	[tilespmem:s21+$0x70A0] =	vst v5  }
0x54: {  	v0 =	vadd.f32 v8, v0;
	[tilespmem:s21+$0x74A0] =	vst v6  }
0x55: {  	[tilespmem:s21+$0x78A0] =	vst v7  }
0x56: {  	v28 =	vmax.f32 v1, v2;
	[tilespmem:s21+$0x7CA0] =	vst v0  }
0x57: {  	v29 =	vmax.f32 v3, v4;
	[tilespmem:s21+$0x50A0] =	vst v28  }
0x58: {  	v30 =	vmax.f32 v5, v6;
	[tilespmem:s21+$0x54A0] =	vst v29  }
0x59: {  	v31 =	vmax.f32 v7, v0;
	[tilespmem:s21+$0x58A0] =	vst v30  }
0x5a: {  	v32 =	vmax.f32 v28, v29;
	[tilespmem:s21+$0x5CA0] =	vst v31  }
0x5b: {  	v33 =	vmax.f32 v30, v31;
	[tilespmem:s21+$0x48A0] =	vst v32  }
0x5c: {  	[tilespmem:s21+$0x4CA0] =	vst v33  }
0x5d: {  	v0 =	vld [tilespmem:s19+$0xFFFFFFF0]  }
0x5e: {  	v1 =	vld [tilespmem:s18+$0xFFFFFE30]  }
0x5f: {  	v2 =	vld [tilespmem:s18+$0xFFFFFEB0]  }
0x60: {  	v3 =	vld [tilespmem:s18+$0xFFFFFF30]  }
0x61: {  	v4 =	vld [tilespmem:s18+$0xFFFFFFB0]  }
0x62: {  	v5 =	vld [tilespmem:s18+$0x30]  }
0x63: {  	v6 =	vld [tilespmem:s18+$0xB0];
	v1 =	vadd.f32 v1, v0  }
0x64: {  	v7 =	vld [tilespmem:s18+$0x130];
	v2 =	vadd.f32 v2, v0  }
0x65: {  	v8 =	vld [tilespmem:s18+$0x1B0];
	v3 =	vadd.f32 v3, v0;
	[tilespmem:s21+$0x60B0] =	vst v1  }
0x66: {  	v4 =	vadd.f32 v4, v0;
	[tilespmem:s21+$0x64B0] =	vst v2  }
0x67: {  	v5 =	vadd.f32 v5, v0;
	[tilespmem:s21+$0x68B0] =	vst v3  }
0x68: {  	v6 =	vadd.f32 v6, v0;
	[tilespmem:s21+$0x6CB0] =	vst v4  }
0x69: {  	v7 =	vadd.f32 v7, v0;
	[tilespmem:s21+$0x70B0] =	vst v5  }
0x6a: {  	v0 =	vadd.f32 v8, v0;
	[tilespmem:s21+$0x74B0] =	vst v6  }
0x6b: {  	[tilespmem:s21+$0x78B0] =	vst v7  }
0x6c: {  	v34 =	vmax.f32 v1, v2;
	[tilespmem:s21+$0x7CB0] =	vst v0  }
0x6d: {  	v35 =	vmax.f32 v3, v4;
	[tilespmem:s21+$0x50B0] =	vst v34  }
0x6e: {  	v36 =	vmax.f32 v5, v6;
	[tilespmem:s21+$0x54B0] =	vst v35  }
0x6f: {  	v37 =	vmax.f32 v7, v0;
	[tilespmem:s21+$0x58B0] =	vst v36  }
0x70: {  	v38 =	vmax.f32 v34, v35;
	[tilespmem:s21+$0x5CB0] =	vst v37  }
0x71: {  	v39 =	vmax.f32 v36, v37;
	[tilespmem:s21+$0x48B0] =	vst v38  }
0x72: {  	[tilespmem:s21+$0x4CB0] =	vst v39  }
0x73: {  	v0 =	vld [tilespmem:s19+$0x0]  }
0x74: {  	v1 =	vld [tilespmem:s18+$0xFFFFFE40]  }
0x75: {  	v2 =	vld [tilespmem:s18+$0xFFFFFEC0]  }
0x76: {  	v3 =	vld [tilespmem:s18+$0xFFFFFF40]  }
0x77: {  	v4 =	vld [tilespmem:s18+$0xFFFFFFC0]  }
0x78: {  	v5 =	vld [tilespmem:s18+$0x40]  }
0x79: {  	v6 =	vld [tilespmem:s18+$0xC0];
	v1 =	vadd.f32 v1, v0  }
0x7a: {  	v7 =	vld [tilespmem:s18+$0x140];
	v2 =	vadd.f32 v2, v0  }
0x7b: {  	v8 =	vld [tilespmem:s18+$0x1C0];
	v3 =	vadd.f32 v3, v0;
	[tilespmem:s21+$0x60C0] =	vst v1  }
0x7c: {  	v4 =	vadd.f32 v4, v0;
	[tilespmem:s21+$0x64C0] =	vst v2  }
0x7d: {  	v5 =	vadd.f32 v5, v0;
	[tilespmem:s21+$0x68C0] =	vst v3  }
0x7e: {  	v6 =	vadd.f32 v6, v0;
	[tilespmem:s21+$0x6CC0] =	vst v4  }
0x7f: {  	v7 =	vadd.f32 v7, v0;
	[tilespmem:s21+$0x70C0] =	vst v5  }
0x80: {  	v0 =	vadd.f32 v8, v0;
	[tilespmem:s21+$0x74C0] =	vst v6  }
0x81: {  	[tilespmem:s21+$0x78C0] =	vst v7  }
0x82: {  	v40 =	vmax.f32 v1, v2;
	[tilespmem:s21+$0x7CC0] =	vst v0  }
0x83: {  	v41 =	vmax.f32 v3, v4;
	[tilespmem:s21+$0x50C0] =	vst v40  }
0x84: {  	v42 =	vmax.f32 v5, v6;
	[tilespmem:s21+$0x54C0] =	vst v41  }
0x85: {  	v43 =	vmax.f32 v7, v0;
	[tilespmem:s21+$0x58C0] =	vst v42  }
0x86: {  	v44 =	vmax.f32 v40, v41;
	[tilespmem:s21+$0x5CC0] =	vst v43  }
0x87: {  	v45 =	vmax.f32 v42, v43;
	[tilespmem:s21+$0x48C0] =	vst v44  }
0x88: {  	[tilespmem:s21+$0x4CC0] =	vst v45  }
0x89: {  	v0 =	vld [tilespmem:s19+$0x10]  }
0x8a: {  	v1 =	vld [tilespmem:s18+$0xFFFFFE50]  }
0x8b: {  	v2 =	vld [tilespmem:s18+$0xFFFFFED0]  }
0x8c: {  	v3 =	vld [tilespmem:s18+$0xFFFFFF50]  }
0x8d: {  	v4 =	vld [tilespmem:s18+$0xFFFFFFD0]  }
0x8e: {  	v5 =	vld [tilespmem:s18+$0x50]  }
0x8f: {  	v6 =	vld [tilespmem:s18+$0xD0];
	v1 =	vadd.f32 v1, v0  }
0x90: {  	v7 =	vld [tilespmem:s18+$0x150];
	v2 =	vadd.f32 v2, v0  }
0x91: {  	v8 =	vld [tilespmem:s18+$0x1D0];
	v3 =	vadd.f32 v3, v0;
	[tilespmem:s21+$0x60D0] =	vst v1  }
0x92: {  	v4 =	vadd.f32 v4, v0;
	[tilespmem:s21+$0x64D0] =	vst v2  }
0x93: {  	v5 =	vadd.f32 v5, v0;
	[tilespmem:s21+$0x68D0] =	vst v3  }
0x94: {  	v6 =	vadd.f32 v6, v0;
	[tilespmem:s21+$0x6CD0] =	vst v4  }
0x95: {  	v7 =	vadd.f32 v7, v0;
	[tilespmem:s21+$0x70D0] =	vst v5  }
0x96: {  	v0 =	vadd.f32 v8, v0;
	[tilespmem:s21+$0x74D0] =	vst v6  }
0x97: {  	[tilespmem:s21+$0x78D0] =	vst v7  }
0x98: {  	v46 =	vmax.f32 v1, v2;
	[tilespmem:s21+$0x7CD0] =	vst v0  }
0x99: {  	v47 =	vmax.f32 v3, v4;
	[tilespmem:s21+$0x50D0] =	vst v46  }
0x9a: {  	v48 =	vmax.f32 v5, v6;
	[tilespmem:s21+$0x54D0] =	vst v47  }
0x9b: {  	v49 =	vmax.f32 v7, v0;
	[tilespmem:s21+$0x58D0] =	vst v48  }
0x9c: {  	v50 =	vmax.f32 v46, v47;
	[tilespmem:s21+$0x5CD0] =	vst v49  }
0x9d: {  	v51 =	vmax.f32 v48, v49;
	[tilespmem:s21+$0x48D0] =	vst v50  }
0x9e: {  	[tilespmem:s21+$0x4CD0] =	vst v51  }
0x9f: {  	v0 =	vld [tilespmem:s19+$0x20]  }
0xa0: {  	v1 =	vld [tilespmem:s18+$0xFFFFFE60]  }
0xa1: {  	v2 =	vld [tilespmem:s18+$0xFFFFFEE0]  }
0xa2: {  	v3 =	vld [tilespmem:s18+$0xFFFFFF60]  }
0xa3: {  	v4 =	vld [tilespmem:s18+$0xFFFFFFE0]  }
0xa4: {  	v5 =	vld [tilespmem:s18+$0x60]  }
0xa5: {  	v6 =	vld [tilespmem:s18+$0xE0];
	v1 =	vadd.f32 v1, v0  }
0xa6: {  	v7 =	vld [tilespmem:s18+$0x160];
	v2 =	vadd.f32 v2, v0  }
0xa7: {  	v8 =	vld [tilespmem:s18+$0x1E0];
	v3 =	vadd.f32 v3, v0;
	[tilespmem:s21+$0x60E0] =	vst v1  }
0xa8: {  	v4 =	vadd.f32 v4, v0;
	[tilespmem:s21+$0x64E0] =	vst v2  }
0xa9: {  	v5 =	vadd.f32 v5, v0;
	[tilespmem:s21+$0x68E0] =	vst v3  }
0xaa: {  	v6 =	vadd.f32 v6, v0;
	[tilespmem:s21+$0x6CE0] =	vst v4  }
0xab: {  	v7 =	vadd.f32 v7, v0;
	[tilespmem:s21+$0x70E0] =	vst v5  }
0xac: {  	v0 =	vadd.f32 v8, v0;
	[tilespmem:s21+$0x74E0] =	vst v6  }
0xad: {  	[tilespmem:s21+$0x78E0] =	vst v7  }
0xae: {  	v52 =	vmax.f32 v1, v2;
	[tilespmem:s21+$0x7CE0] =	vst v0  }
0xaf: {  	v53 =	vmax.f32 v3, v4;
	[tilespmem:s21+$0x50E0] =	vst v52  }
0xb0: {  	v54 =	vmax.f32 v5, v6;
	[tilespmem:s21+$0x54E0] =	vst v53  }
0xb1: {  	v55 =	vmax.f32 v7, v0;
	[tilespmem:s21+$0x58E0] =	vst v54  }
0xb2: {  	v56 =	vmax.f32 v52, v53;
	[tilespmem:s21+$0x5CE0] =	vst v55  }
0xb3: {  	v57 =	vmax.f32 v54, v55;
	[tilespmem:s21+$0x48E0] =	vst v56  }
0xb4: {  	[tilespmem:s21+$0x4CE0] =	vst v57  }
0xb5: {  	v0 =	vld [tilespmem:s19+$0x30]  }
0xb6: {  	v1 =	vld [tilespmem:s18+$0xFFFFFE70]  }
0xb7: {  	v2 =	vld [tilespmem:s18+$0xFFFFFEF0]  }
0xb8: {  	v3 =	vld [tilespmem:s18+$0xFFFFFF70]  }
0xb9: {  	v4 =	vld [tilespmem:s18+$0xFFFFFFF0]  }
0xba: {  	v5 =	vld [tilespmem:s18+$0x70]  }
0xbb: {  	v6 =	vld [tilespmem:s18+$0xF0];
	v1 =	vadd.f32 v1, v0  }
0xbc: {  	v7 =	vld [tilespmem:s18+$0x170];
	v2 =	vadd.f32 v2, v0  }
0xbd: {  	v8 =	vld [tilespmem:s18+$0x1F0];
	v3 =	vadd.f32 v3, v0;
	[tilespmem:s21+$0x60F0] =	vst v1  }
0xbe: {  	v4 =	vadd.f32 v4, v0;
	[tilespmem:s21+$0x64F0] =	vst v2  }
0xbf: {  	v5 =	vadd.f32 v5, v0;
	[tilespmem:s21+$0x68F0] =	vst v3  }
0xc0: {  	v6 =	vadd.f32 v6, v0;
	[tilespmem:s21+$0x6CF0] =	vst v4  }
0xc1: {  	v7 =	vadd.f32 v7, v0;
	[tilespmem:s21+$0x70F0] =	vst v5  }
0xc2: {  	v0 =	vadd.f32 v8, v0;
	[tilespmem:s21+$0x74F0] =	vst v6  }
0xc3: {  	[tilespmem:s21+$0x78F0] =	vst v7  }
0xc4: {  	v58 =	vmax.f32 v1, v2;
	[tilespmem:s21+$0x7CF0] =	vst v0  }
0xc5: {  	p0 =	sne.s32 s20, $0xF;
	v59 =	vmax.f32 v3, v4;
	[tilespmem:s21+$0x50F0] =	vst v58  }
.Ltmp0:
0xc6: {  	v60 =	vmax.f32 v5, v6;
	[tilespmem:s21+$0x54F0] =	vst v59;
	(pc) =	sbr.rel @p0 .LBB2_3-.Ltmp0, $4  }
0xc7: {  	v61 =	vmax.f32 v7, v0;
	[tilespmem:s21+$0x58F0] =	vst v60  }
0xc8: {  	v62 =	vmax.f32 v58, v59;
	[tilespmem:s21+$0x5CF0] =	vst v61  }
0xc9: {  	s17 =	sadd.s32 $0x80, s17;
	v63 =	vmax.f32 v60, v61;
	[tilespmem:s21+$0x48F0] =	vst v62  }
0xca: {  	s20 =	sadd.s32 $0x1, s20;
	s18 =	sadd.s32 $0x400, s18;
	s19 =	sadd.s32 $0x80, s19;
	[tilespmem:s21+$0x4CF0] =	vst v63  }
0xcb: {  	s16 =	sshrl.u32 s16, $0x3  }
0xcc: {  	s15 =	sadd.s32 $0x1, s15;
	s16 =	smul.u32 $0x700, s16  }
0xcd: {  	p0 =	sne.s32 s15, $0x10  }
.Ltmp1:
0xce: {  	s16 =	sadd.s32 s1, s16;
	(pc) =	sbr.rel @p0 .LBB2_2-.Ltmp1, $4  }
0xcf: {  	[hbm4b:s16+s2] =	stream.linear.scatter [tilespmem:s13], [sflag:$0x2], $0x7000, $0x38;
	[tilespmem:$0xB880] =	vst v63  }
0xd0: {  	_ =	swait.ge [sflag:s9], $0x7000  }
0xd1: {  	[sflag:s9] =	ssyncset.done $0x0  }
0xd2: {  	[sflag:s9] =	ssyncadd.s32 $0xFFFF9000  }
0xd3: {  	s14 =	sadd.s32 $0x1, s14  }
0xd4: {  	p0 =	sne.s32 s14, s8  }
.Ltmp2:
0xd5: {  	_ = 	snop;
	(pc) =	sbr.rel @p0 .LBB2_1-.Ltmp2, $1  }
0xd6: {  	_ =	sdelay $0x3  }
0xd7: {  	_ =	sfence.sel $0x180000  }
0xd8: {  	[bflag:$0x0] =	sbarrier.arrive $0xFFFF  }
0xd9: {  	p0 =	sne.s32 s3, $0x0;
	_ =	strace $0x90000047  }
0xda: {  	s0 =	sadd.s32 @!p0 $0x100000, s0;
	[bflag:$0x2] =	sbarrier.arrive $0xFFFF  }
0xdb: {  	[sflag:s0] =	ssyncadd.tile.s32 @!p0 $0x1;
	_ =	shalt  }
.Lfunc_end2:
_tile_overlayer_lowered:
.L_overlay_start_2:
0xdc: {  	(tag) =	ssettag $0x2  }
0xdd: {  	s0 =	rddreg [dreg:$0x0];
	s2 =	stileid.u32  }
0xde: {  	s1 =	rddreg [dreg:$0x1];
	p0 =	sne.s32 s2, $0x0  }
0xdf: {  	s3 =	rddreg [dreg:$0x2];
	[bflag:$0x3] =	sbarrier.arrive $0xFFFF;
	s2 =	simm.s32 @!p0 $0x1C02  }
0xe0: {  	[timem:s3], [sflag:s2] =	dma.local @!p0 [hbm:s0], s1  }
0xe1: {  	s0 =	simm.s32 @!p0 $0x2  }
0xe2: {  	_ =	swait.ge @!p0 [sflag:s0], s1  }
0xe3: {  	s1 =	ssub.s32 @!p0 $0x0, s1;
	[sflag:s0] =	ssyncset.done @!p0 $0x0  }
0xe4: {  	[sflag:s0] =	ssyncadd.s32 @!p0 s1  }
0xe5: {  	[bflag:$0x3] =	sbarrier.arrive $0xFFFF  }
0xe6: {  	_ =	shalt  }

</sc_bundles>
